<compile_context>
chip_gen: v7x
topology: tpu7x:2x2x1
jax: 0.10.2.dev20260603
libtpu: 0.0.44.dev20260713+nightly
codegen_flags: <defaults>
</compile_context>

<pallas_src>
import functools

import jax
import jax.numpy as jnp
from jax import lax
from jax.experimental import pallas as pl
from jax.experimental.pallas import tpu as pltpu
from jax.experimental.pallas import tpu_sc as plsc

D = 100
DP = 128
T, S, Q = 64, 32, 32
NTOK = T * S
NE = 8 * NTOK
NR = 4 * NTOK
NC, NS = 2, 16
NW = NC * NS
CH = 128
E_PER = NE // NW
R_PER = NR // NW
E_CH = E_PER // CH
R_CH = R_PER // CH


def _make_gather_kernel(n_ch):
    per = n_ch * CH

    def k(tab_hbm, idx_hbm, out_hbm, idx_v, rows_v, sem):
        wid = lax.axis_index("s") * NC + lax.axis_index("c")
        pltpu.sync_copy(idx_hbm.at[wid], idx_v)
        copies = [
            pltpu.async_copy(tab_hbm.at[idx_v.at[j]],
                             rows_v.at[pl.ds(j * CH, CH)], sem)
            for j in range(n_ch)
        ]
        for c in copies:
            c.wait()
        pltpu.sync_copy(rows_v, out_hbm.at[pl.ds(wid * per, per)])

    return k


def _sc_gather(table, idx, n_ch):
    per = n_ch * CH
    mesh = plsc.VectorSubcoreMesh(core_axis_name="c", subcore_axis_name="s")
    run = functools.partial(
        pl.kernel,
        mesh=mesh,
        out_type=jax.ShapeDtypeStruct((NW * per, DP), jnp.float32),
        scratch_types=[
            pltpu.VMEM((n_ch, CH), jnp.int32),
            pltpu.VMEM((per, DP), jnp.float32),
            pltpu.SemaphoreType.DMA,
        ],
    )(_make_gather_kernel(n_ch))
    return run(table, idx.reshape(NW, n_ch, CH))


TP_BLK = 25600
TP_GRID = (100000 + TP_BLK - 1) // TP_BLK


def _tp_kernel(x_ref, e_ref, o_ref):
    o_ref[...] = jax.lax.dot_general(
        x_ref[...], e_ref[...], (((0,), (0,)), ((), ())),
        preferred_element_type=jnp.float32)


def _transpose_pad(tab_t, eye_p):
    return pl.pallas_call(
        _tp_kernel,
        grid=(TP_GRID,),
        in_specs=[pl.BlockSpec((D, TP_BLK), lambda i: (0, i)),
                  pl.BlockSpec((D, DP), lambda i: (0, 0))],
        out_specs=pl.BlockSpec((TP_BLK, DP), lambda i: (i, 0)),
        out_shape=jax.ShapeDtypeStruct((100000, DP), jnp.float32),
        compiler_params=pltpu.CompilerParams(vmem_limit_bytes=56 * 2**20),
    )(tab_t, eye_p)


def _dense_kernel(e_ref, r_ref, m_ref, wagg_ref, bagg_ref, w1_ref, b1_ref,
                  w2_ref, b2_ref, w3_ref, b3_ref, wmu_ref, bmu_ref,
                  wsig_ref, bsig_ref, wd_ref, bd_ref, eps_ref, out_ref):
    f32 = jnp.float32

    def seg_e(i):
        return e_ref[pl.ds(i * NTOK, NTOK), pl.ds(0, D)]

    def seg_r(i):
        return r_ref[pl.ds(i * NTOK, NTOK), pl.ds(0, D)]

    def mask(i):
        return m_ref[:, i:i + 1]

    sp_t = seg_e(1)
    sp_r = seg_r(0)
    wagg_t = wagg_ref[pl.ds(0, D), :]
    wagg_r = wagg_ref[pl.ds(D, D), :]
    nbr = jnp.maximum(
        jnp.dot(sp_t, wagg_t, preferred_element_type=f32)
        + jnp.dot(sp_r, wagg_r, preferred_element_type=f32)
        + bagg_ref[0, :], 0.0)
    u = jnp.sum(nbr.reshape(T, S, D), axis=1) * (1.0 / S)
    u_rep = jnp.repeat(u, S, axis=0)

    def blend(x, m):
        return x + m * (u_rep - x)

    bf = jnp.bfloat16
    w1_h = w1_ref[pl.ds(0, D), :].astype(bf)
    w1_r = w1_ref[pl.ds(D, D), :].astype(bf)
    w1_t = w1_ref[pl.ds(2 * D, D), :].astype(bf)
    w2_bf = w2_ref[...].astype(bf)
    w1_lab = w1_ref[pl.ds(3 * D, 1), :]
    labels = (1.0, 0.0, 1.0, 0.0)
    pooled = []
    for s in range(4):
        h_emb = blend(seg_e(2 * s), mask(2 * s))
        t_emb = blend(seg_e(2 * s + 1), mask(2 * s + 1))
        r_emb = seg_r(s)
        h1 = jnp.maximum(
            jnp.dot(h_emb.astype(bf), w1_h, preferred_element_type=f32)
            + jnp.dot(r_emb.astype(bf), w1_r, preferred_element_type=f32)
            + jnp.dot(t_emb.astype(bf), w1_t, preferred_element_type=f32)
            + (b1_ref[0, :] + labels[s] * w1_lab[0, :]), 0.0)
        h2 = jnp.maximum(
            jnp.dot(h1.astype(bf), w2_bf, preferred_element_type=f32)
            + b2_ref[0, :], 0.0)
        pooled.append(jnp.sum(h2.reshape(T, S, 200), axis=1))

    c_h = (pooled[0] + pooled[1]) * (1.0 / (2 * S))
    t_h = (pooled[0] + pooled[1] + pooled[2] + pooled[3]) * (1.0 / (4 * S))
    c = jnp.dot(c_h, w3_ref[...], preferred_element_type=f32) + b3_ref[0, :]
    tg = jnp.dot(t_h, w3_ref[...], preferred_element_type=f32) + b3_ref[0, :]

    mu_c = jnp.dot(c, wmu_ref[...], preferred_element_type=f32) + bmu_ref[0, :]
    mu_t = jnp.dot(tg, wmu_ref[...], preferred_element_type=f32) + bmu_ref[0, :]
    sg_c = 0.1 + 0.9 * jax.nn.sigmoid(
        jnp.dot(c, wsig_ref[...], preferred_element_type=f32) + bsig_ref[0, :])
    sg_t = 0.1 + 0.9 * jax.nn.sigmoid(
        jnp.dot(tg, wsig_ref[...], preferred_element_type=f32) + bsig_ref[0, :])

    kld = jnp.sum(
        jnp.log(sg_c / sg_t)
        + (sg_t * sg_t + (mu_t - mu_c) ** 2) / (2.0 * sg_c * sg_c) - 0.5,
        axis=-1, keepdims=True)
    out_ref[:, 64:65] = kld

    z = mu_t + sg_t * eps_ref[...]
    z_rep = jnp.repeat(z, S, axis=0)
    wd_e = wd_ref[pl.ds(0, D), :]
    wd_z = wd_ref[pl.ds(D, D), :]
    z_dec = jnp.dot(z_rep, wd_z, preferred_element_type=f32) + bd_ref[0, :]

    for s, col in ((2, 0), (3, Q)):
        h_emb = blend(seg_e(2 * s), mask(2 * s))
        t_emb = blend(seg_e(2 * s + 1), mask(2 * s + 1))
        r_emb = seg_r(s)
        h_dec = jnp.dot(h_emb, wd_e, preferred_element_type=f32) + z_dec
        t_dec = jnp.dot(t_emb, wd_e, preferred_element_type=f32) + z_dec
        prod = h_dec * r_emb * t_dec
        out_ref[:, col:col + Q] = jnp.sum(prod.reshape(T, Q, D), axis=-1)


def _dense(e_rows, r_rows, masks, W_agg, b_agg, W1, b1, W2, b2, W3, b3,
           Wmu, bmu, Wsig, bsig, Wd, bd, eps, interpret=False):
    return pl.pallas_call(
        _dense_kernel,
        out_shape=jax.ShapeDtypeStruct((T, 65), jnp.float32),
        interpret=interpret,
    )(e_rows, r_rows, masks, W_agg, b_agg.reshape(1, D), W1,
      b1.reshape(1, 500), W2, b2.reshape(1, 200), W3, b3.reshape(1, D),
      Wmu, bmu.reshape(1, D), Wsig, bsig.reshape(1, D), Wd,
      bd.reshape(1, D), eps)


def kernel(entity_table, relation_table, W_agg, b_agg, W1, b1, W2, b2, W3,
           b3, Wmu, bmu, Wsig, bsig, Wd, bd, unseen_entities, support_pos,
           support_neg, query_pos, query_neg):
    sets = [support_pos.reshape(NTOK, 3), support_neg.reshape(NTOK, 3),
            query_pos.reshape(NTOK, 3), query_neg.reshape(NTOK, 3)]
    ent_idx = jnp.concatenate(
        [c for tr in sets for c in (tr[:, 0], tr[:, 2])])
    rel_idx = jnp.concatenate([tr[:, 1] for tr in sets])
    un_rep = jnp.repeat(unseen_entities, S)
    masks = jnp.stack(
        [c for tr in sets for c in (tr[:, 0] == un_rep, tr[:, 2] == un_rep)],
        axis=1).astype(jnp.float32)

    eye_p = jnp.eye(D, DP, dtype=jnp.float32)
    etab = _transpose_pad(entity_table.T, eye_p)
    e_rows = _sc_gather(etab, ent_idx, E_CH)
    rtab = _transpose_pad(relation_table.T, eye_p)
    r_rows = _sc_gather(rtab, rel_idx, R_CH)

    eps = jax.random.normal(jax.random.key(42), (T, D), jnp.float32)
    return _dense(e_rows, r_rows, masks, W_agg, b_agg, W1, b1, W2,
                  b2, W3, b3, Wmu, bmu, Wsig, bsig, Wd, bd, eps)

# --- scband reference (transcript-rebuilt; emitter-appended) ---
"""Pipeline reference for scband-nueral-process-56075093017161 (READ-ONLY COPY).

The authoritative reference and input builder live on the scoring server;
editing this copy changes nothing except your own understanding.
"""

import jax, jax.numpy as jnp
import numpy as np

NUM_ENTITY = 100000
NUM_RELATION = 100000
D = 100
T, S, Q = 64, 32, 32


def setup_inputs(seed: int = 0) -> dict:
    key = jax.random.key(seed)
    ks = jax.random.split(key, 24)
    inp = {}
    inp['entity_table'] = jax.random.normal(ks[0], (NUM_ENTITY, D), jnp.float32) * 0.02
    inp['relation_table'] = jax.random.normal(ks[1], (NUM_RELATION, D), jnp.float32) * 0.02
    inp['W_agg'] = jax.random.normal(ks[2], (2 * D, D), jnp.float32) * 0.05
    inp['b_agg'] = jnp.zeros((D,), jnp.float32)
    inp['W1'] = jax.random.normal(ks[3], (3 * D + 1, 500), jnp.float32) * 0.05
    inp['b1'] = jnp.zeros((500,), jnp.float32)
    inp['W2'] = jax.random.normal(ks[4], (500, 200), jnp.float32) * 0.05
    inp['b2'] = jnp.zeros((200,), jnp.float32)
    inp['W3'] = jax.random.normal(ks[5], (200, D), jnp.float32) * 0.05
    inp['b3'] = jnp.zeros((D,), jnp.float32)
    inp['Wmu'] = jax.random.normal(ks[6], (D, D), jnp.float32) * 0.05
    inp['bmu'] = jnp.zeros((D,), jnp.float32)
    inp['Wsig'] = jax.random.normal(ks[7], (D, D), jnp.float32) * 0.05
    inp['bsig'] = jnp.zeros((D,), jnp.float32)
    inp['Wd'] = jax.random.normal(ks[8], (2 * D, D), jnp.float32) * 0.05
    inp['bd'] = jnp.zeros((D,), jnp.float32)
    inp['unseen_entities'] = jax.random.randint(ks[10], (T,), 0, NUM_ENTITY, jnp.int32)
    inp['support_pos'] = jax.random.randint(ks[11], (T, S, 3), 0, NUM_ENTITY, jnp.int32)
    inp['support_neg'] = jax.random.randint(ks[12], (T, S, 3), 0, NUM_ENTITY, jnp.int32)
    inp['query_pos'] = jax.random.randint(ks[13], (T, Q, 3), 0, NUM_ENTITY, jnp.int32)
    inp['query_neg'] = jax.random.randint(ks[14], (T, Q, 3), 0, NUM_ENTITY, jnp.int32)
    return inp


def _latent_encoder(x, W1, b1, W2, b2, W3, b3):
    h = jax.nn.relu(x @ W1 + b1)
    h = jax.nn.relu(h @ W2 + b2)
    return h @ W3 + b3


def _concat_embed(entity_table, relation_table, triplets, unseen, unseen_emb, label):
    h, r, t = triplets[..., 0], triplets[..., 1], triplets[..., 2]
    h_emb = jnp.take(entity_table, h, axis=0)
    t_emb = jnp.take(entity_table, t, axis=0)
    r_emb = jnp.take(relation_table, r, axis=0)
    mh = (h == unseen[:, None])[..., None]
    mt = (t == unseen[:, None])[..., None]
    h_emb = jnp.where(mh, unseen_emb[:, None, :], h_emb)
    t_emb = jnp.where(mt, unseen_emb[:, None, :], t_emb)
    lab = jnp.full(h_emb.shape[:-1] + (1,), label, h_emb.dtype)
    return jnp.concatenate([h_emb, r_emb, t_emb, lab], axis=-1)


def reference(entity_table, relation_table, W_agg, b_agg, W1, b1, W2, b2, W3, b3,
              Wmu, bmu, Wsig, bsig, Wd, bd,
              unseen_entities, support_pos, support_neg, query_pos, query_neg):
    # unseen-entity embedding: GNN-style aggregation over support-positive neighbors
    r_nb = jnp.take(relation_table, support_pos[..., 1], axis=0)
    t_nb = jnp.take(entity_table, support_pos[..., 2], axis=0)
    nbr = jax.nn.relu(jnp.concatenate([t_nb, r_nb], axis=-1) @ W_agg + b_agg)
    unseen_emb = jnp.mean(nbr, axis=1)  # [T, D]

    sp = _concat_embed(entity_table, relation_table, support_pos, unseen_entities, unseen_emb, 1.0)
    sn = _concat_embed(entity_table, relation_table, support_neg, unseen_entities, unseen_emb, 0.0)
    qp = _concat_embed(entity_table, relation_table, query_pos, unseen_entities, unseen_emb, 1.0)
    qn = _concat_embed(entity_table, relation_table, query_neg, unseen_entities, unseen_emb, 0.0)

    s_pos_r = _latent_encoder(sp, W1, b1, W2, b2, W3, b3)
    s_neg_r = _latent_encoder(sn, W1, b1, W2, b2, W3, b3)
    q_pos_r = _latent_encoder(qp, W1, b1, W2, b2, W3, b3)
    q_neg_r = _latent_encoder(qn, W1, b1, W2, b2, W3, b3)

    c_r = jnp.concatenate([s_pos_r, s_neg_r], axis=1)
    t_r = jnp.concatenate([s_pos_r, s_neg_r, q_pos_r, q_neg_r], axis=1)
    c = jnp.mean(c_r, axis=1)
    tg = jnp.mean(t_r, axis=1)

    mu_c = c @ Wmu + bmu
    sig_c = 0.1 + 0.9 * jax.nn.sigmoid(c @ Wsig + bsig)
    mu_t = tg @ Wmu + bmu
    sig_t = 0.1 + 0.9 * jax.nn.sigmoid(tg @ Wsig + bsig)

    kld = jnp.sum(jnp.log(sig_c / sig_t) + (sig_t ** 2 + (mu_t - mu_c) ** 2) / (2.0 * sig_c ** 2) - 0.5, axis=-1)

    eps = jax.random.normal(jax.random.key(42), mu_t.shape, mu_t.dtype)
    z = mu_t + sig_t * eps  # rsample

    def query_score(triplets):
        h, r, t = triplets[..., 0], triplets[..., 1], triplets[..., 2]
        h_emb = jnp.take(entity_table, h, axis=0)
        t_emb = jnp.take(entity_table, t, axis=0)
        r_emb = jnp.take(relation_table, r, axis=0)
        mh = (h == unseen_entities[:, None])[..., None]
        mt = (t == unseen_entities[:, None])[..., None]
        h_emb = jnp.where(mh, unseen_emb[:, None, :], h_emb)
        t_emb = jnp.where(mt, unseen_emb[:, None, :], t_emb)
        zb = jnp.broadcast_to(z[:, None, :], h_emb.shape)
        h_dec = jnp.concatenate([h_emb, zb], axis=-1) @ Wd + bd
        t_dec = jnp.concatenate([t_emb, zb], axis=-1) @ Wd + bd
        return jnp.sum(h_dec * r_emb * t_dec, axis=-1)  # DistMult

    score_p = query_score(query_pos)
    score_n = query_score(query_neg)
    return jnp.concatenate([score_p, score_n, kld[:, None]], axis=1)


if False:  # reference __main__ guard neutralized (emitter)
    out = reference(**setup_inputs())
    print(out.shape)

if __name__ == "__main__":
    import jax
    _d = setup_inputs()
    print(jax.jit(kernel)(*tuple(_d.values())))

</pallas_src>

<mosaic_0001>
#map = affine_map<(d0, d1) -> (0, 0)>
#map1 = affine_map<(d0, d1) -> (0, 0, 0)>
module attributes {stable_mosaic.version = 14 : i64} {
  func.func @k(%arg0: i32, %arg1: i32, %arg2: memref<100000x128xf32, #tpu.memory_space<hbm>>, %arg3: memref<32x2x128xi32, #tpu.memory_space<hbm>>, %arg4: memref<8192x128xf32, #tpu.memory_space<hbm>>, %arg5: memref<2x128xi32, #tpu.memory_space<vmem>>, %arg6: memref<256x128xf32, #tpu.memory_space<vmem>>, %arg7: memref<!tpu.dma_semaphore, #tpu.memory_space<semaphore_mem>>) attributes {dimension_semantics = [#tpu.dimension_semantics<core_parallel>, #tpu.dimension_semantics<subcore_parallel>], iteration_bounds = array<i64: 2, 16>, scalar_prefetch = 0 : i64, scratch_operands = 3 : i64, tpu.core_type = #tpu.core_type<sc_vector_subcore>, window_params = [{transform_indices = #map}, {transform_indices = #map1}, {transform_indices = #map}]} {
    %mul3A = arith.constant 2 : i32
    %mul3A_0 = arith.muli %arg1, %mul3A : i32
    %add3A = arith.addi %mul3A_0, %arg0 : i32
    "tpu.region"() ({
      %run_scoped3A = tpu.sem_alloc : memref<!tpu.dma_semaphore, #tpu.memory_space<semaphore_mem>>
      %dma_start3A_41 = arith.constant 0 : i32
      %dma_start3A_42 = arith.constant 0 : i32
      %dma_start3A_43 = tpu.memref_slice %arg3[%add3A, %dma_start3A_41, %dma_start3A_42] : memref<32x2x128xi32, #tpu.memory_space<hbm>> -> memref<1x2x128xi32, #tpu.memory_space<hbm>>
      %dma_start3A_44 = tpu.memref_squeeze %dma_start3A_43 : memref<1x2x128xi32, #tpu.memory_space<hbm>> -> memref<2x128xi32, #tpu.memory_space<hbm>>
      %dma_start3A_45 = arith.constant 0 : i32
      %dma_start3A_46 = arith.constant 0 : i32
      %dma_start3A_47 = tpu.memref_slice %arg3[%add3A, %dma_start3A_45, %dma_start3A_46] : memref<32x2x128xi32, #tpu.memory_space<hbm>> -> memref<1x2x128xi32, #tpu.memory_space<hbm>>
      %dma_start3A_48 = tpu.memref_squeeze %dma_start3A_47 : memref<1x2x128xi32, #tpu.memory_space<hbm>> -> memref<2x128xi32, #tpu.memory_space<hbm>>
      tpu.enqueue_dma source(%dma_start3A_48 : memref<2x128xi32, #tpu.memory_space<hbm>>) target(%arg5 : memref<2x128xi32, #tpu.memory_space<vmem>>) target_semaphore(%run_scoped3A : memref<!tpu.dma_semaphore, #tpu.memory_space<semaphore_mem>>)
      %dma_wait3A_49 = arith.constant 0 : i32
      %dma_wait3A_50 = arith.constant 0 : i32
      %dma_wait3A_51 = tpu.memref_slice %arg3[%add3A, %dma_wait3A_49, %dma_wait3A_50] : memref<32x2x128xi32, #tpu.memory_space<hbm>> -> memref<1x2x128xi32, #tpu.memory_space<hbm>>
      %dma_wait3A_52 = tpu.memref_squeeze %dma_wait3A_51 : memref<1x2x128xi32, #tpu.memory_space<hbm>> -> memref<2x128xi32, #tpu.memory_space<hbm>>
      %dma_wait3A_53 = arith.constant 0 : i32
      %dma_wait3A_54 = arith.constant 0 : i32
      %dma_wait3A_55 = tpu.memref_slice %arg3[%add3A, %dma_wait3A_53, %dma_wait3A_54] : memref<32x2x128xi32, #tpu.memory_space<hbm>> -> memref<1x2x128xi32, #tpu.memory_space<hbm>>
      %dma_wait3A_56 = tpu.memref_squeeze %dma_wait3A_55 : memref<1x2x128xi32, #tpu.memory_space<hbm>> -> memref<2x128xi32, #tpu.memory_space<hbm>>
      tpu.wait_dma2 semaphore(%run_scoped3A : memref<!tpu.dma_semaphore, #tpu.memory_space<semaphore_mem>>) src(%dma_wait3A_56 : memref<2x128xi32, #tpu.memory_space<hbm>>) dst(%arg5 : memref<2x128xi32, #tpu.memory_space<vmem>>)
      tpu.yield
    }) : () -> ()
    %dma_start3A = arith.constant 0 : i32
    %dma_start3A_1 = arith.constant 0 : i32
    %dma_start3A_2 = arith.constant 0 : i32
    %dma_start3A_3 = tpu.memref_slice %arg6[%dma_start3A_1, %dma_start3A_2] : memref<256x128xf32, #tpu.memory_space<vmem>> -> memref<128x128xf32, #tpu.memory_space<vmem>>
    %dma_start3A_4 = arith.constant 0 : i32
    %dma_start3A_5 = tpu.memref_slice %arg5[%dma_start3A, %dma_start3A_4] : memref<2x128xi32, #tpu.memory_space<vmem>> -> memref<1x128xi32, #tpu.memory_space<vmem>>
    %dma_start3A_6 = tpu.memref_squeeze %dma_start3A_5 : memref<1x128xi32, #tpu.memory_space<vmem>> -> memref<128xi32, #tpu.memory_space<vmem>>
    %dma_start3A_7 = arith.constant 0 : i32
    %dma_start3A_8 = arith.constant 0 : i32
    %dma_start3A_9 = tpu.memref_slice %arg2[%dma_start3A_7, %dma_start3A_8] : memref<100000x128xf32, #tpu.memory_space<hbm>> -> memref<100000x128xf32, #tpu.memory_space<hbm>>
    tpu.enqueue_indirect_dma source(%dma_start3A_9 : memref<100000x128xf32, #tpu.memory_space<hbm>>) target(%dma_start3A_3 : memref<128x128xf32, #tpu.memory_space<vmem>>) offsets(%dma_start3A_6 : memref<128xi32, #tpu.memory_space<vmem>>) semaphore(%arg7 : memref<!tpu.dma_semaphore, #tpu.memory_space<semaphore_mem>>)
    %dma_start3A_10 = arith.constant 1 : i32
    %dma_start3A_11 = arith.constant 128 : i32
    %dma_start3A_12 = arith.constant 0 : i32
    %dma_start3A_13 = tpu.memref_slice %arg6[%dma_start3A_11, %dma_start3A_12] : memref<256x128xf32, #tpu.memory_space<vmem>> -> memref<128x128xf32, #tpu.memory_space<vmem>>
    %dma_start3A_14 = arith.constant 0 : i32
    %dma_start3A_15 = tpu.memref_slice %arg5[%dma_start3A_10, %dma_start3A_14] : memref<2x128xi32, #tpu.memory_space<vmem>> -> memref<1x128xi32, #tpu.memory_space<vmem>>
    %dma_start3A_16 = tpu.memref_squeeze %dma_start3A_15 : memref<1x128xi32, #tpu.memory_space<vmem>> -> memref<128xi32, #tpu.memory_space<vmem>>
    %dma_start3A_17 = arith.constant 0 : i32
    %dma_start3A_18 = arith.constant 0 : i32
    %dma_start3A_19 = tpu.memref_slice %arg2[%dma_start3A_17, %dma_start3A_18] : memref<100000x128xf32, #tpu.memory_space<hbm>> -> memref<100000x128xf32, #tpu.memory_space<hbm>>
    tpu.enqueue_indirect_dma source(%dma_start3A_19 : memref<100000x128xf32, #tpu.memory_space<hbm>>) target(%dma_start3A_13 : memref<128x128xf32, #tpu.memory_space<vmem>>) offsets(%dma_start3A_16 : memref<128xi32, #tpu.memory_space<vmem>>) semaphore(%arg7 : memref<!tpu.dma_semaphore, #tpu.memory_space<semaphore_mem>>)
    %dma_wait3A = arith.constant 0 : i32
    %dma_wait3A_20 = arith.constant 0 : i32
    %dma_wait3A_21 = arith.constant 0 : i32
    %dma_wait3A_22 = tpu.memref_slice %arg6[%dma_wait3A_20, %dma_wait3A_21] : memref<256x128xf32, #tpu.memory_space<vmem>> -> memref<128x128xf32, #tpu.memory_space<vmem>>
    %dma_wait3A_23 = arith.constant 0 : i32
    %dma_wait3A_24 = tpu.memref_slice %arg5[%dma_wait3A, %dma_wait3A_23] : memref<2x128xi32, #tpu.memory_space<vmem>> -> memref<1x128xi32, #tpu.memory_space<vmem>>
    %dma_wait3A_25 = tpu.memref_squeeze %dma_wait3A_24 : memref<1x128xi32, #tpu.memory_space<vmem>> -> memref<128xi32, #tpu.memory_space<vmem>>
    %dma_wait3A_26 = arith.constant 0 : i32
    %dma_wait3A_27 = arith.constant 0 : i32
    %dma_wait3A_28 = tpu.memref_slice %arg2[%dma_wait3A_26, %dma_wait3A_27] : memref<100000x128xf32, #tpu.memory_space<hbm>> -> memref<100000x128xf32, #tpu.memory_space<hbm>>
    tpu.wait_indirect_dma semaphore(%arg7 : memref<!tpu.dma_semaphore, #tpu.memory_space<semaphore_mem>>) src(%dma_wait3A_28 : memref<100000x128xf32, #tpu.memory_space<hbm>>) dst(%dma_wait3A_22 : memref<128x128xf32, #tpu.memory_space<vmem>>)
    %dma_wait3A_29 = arith.constant 1 : i32
    %dma_wait3A_30 = arith.constant 128 : i32
    %dma_wait3A_31 = arith.constant 0 : i32
    %dma_wait3A_32 = tpu.memref_slice %arg6[%dma_wait3A_30, %dma_wait3A_31] : memref<256x128xf32, #tpu.memory_space<vmem>> -> memref<128x128xf32, #tpu.memory_space<vmem>>
    %dma_wait3A_33 = arith.constant 0 : i32
    %dma_wait3A_34 = tpu.memref_slice %arg5[%dma_wait3A_29, %dma_wait3A_33] : memref<2x128xi32, #tpu.memory_space<vmem>> -> memref<1x128xi32, #tpu.memory_space<vmem>>
    %dma_wait3A_35 = tpu.memref_squeeze %dma_wait3A_34 : memref<1x128xi32, #tpu.memory_space<vmem>> -> memref<128xi32, #tpu.memory_space<vmem>>
    %dma_wait3A_36 = arith.constant 0 : i32
    %dma_wait3A_37 = arith.constant 0 : i32
    %dma_wait3A_38 = tpu.memref_slice %arg2[%dma_wait3A_36, %dma_wait3A_37] : memref<100000x128xf32, #tpu.memory_space<hbm>> -> memref<100000x128xf32, #tpu.memory_space<hbm>>
    tpu.wait_indirect_dma semaphore(%arg7 : memref<!tpu.dma_semaphore, #tpu.memory_space<semaphore_mem>>) src(%dma_wait3A_38 : memref<100000x128xf32, #tpu.memory_space<hbm>>) dst(%dma_wait3A_32 : memref<128x128xf32, #tpu.memory_space<vmem>>)
    %mul3A_39 = arith.constant 256 : i32
    %mul3A_40 = arith.muli %add3A, %mul3A_39 : i32
    "tpu.region"() ({
      %run_scoped3A = tpu.sem_alloc : memref<!tpu.dma_semaphore, #tpu.memory_space<semaphore_mem>>
      %dma_start3A_41 = arith.constant 0 : i32
      %dma_start3A_42 = tpu.memref_slice %arg4[%mul3A_40, %dma_start3A_41] : memref<8192x128xf32, #tpu.memory_space<hbm>> -> memref<256x128xf32, #tpu.memory_space<hbm>>
      %dma_start3A_43 = arith.constant 0 : i32
      %dma_start3A_44 = tpu.memref_slice %arg4[%mul3A_40, %dma_start3A_43] : memref<8192x128xf32, #tpu.memory_space<hbm>> -> memref<256x128xf32, #tpu.memory_space<hbm>>
      tpu.enqueue_dma source(%arg6 : memref<256x128xf32, #tpu.memory_space<vmem>>) target(%dma_start3A_44 : memref<256x128xf32, #tpu.memory_space<hbm>>) target_semaphore(%run_scoped3A : memref<!tpu.dma_semaphore, #tpu.memory_space<semaphore_mem>>)
      %dma_wait3A_45 = arith.constant 0 : i32
      %dma_wait3A_46 = tpu.memref_slice %arg4[%mul3A_40, %dma_wait3A_45] : memref<8192x128xf32, #tpu.memory_space<hbm>> -> memref<256x128xf32, #tpu.memory_space<hbm>>
      %dma_wait3A_47 = arith.constant 0 : i32
      %dma_wait3A_48 = tpu.memref_slice %arg4[%mul3A_40, %dma_wait3A_47] : memref<8192x128xf32, #tpu.memory_space<hbm>> -> memref<256x128xf32, #tpu.memory_space<hbm>>
      tpu.wait_dma2 semaphore(%run_scoped3A : memref<!tpu.dma_semaphore, #tpu.memory_space<semaphore_mem>>) src(%arg6 : memref<256x128xf32, #tpu.memory_space<vmem>>) dst(%dma_wait3A_48 : memref<256x128xf32, #tpu.memory_space<hbm>>)
      tpu.yield
    }) : () -> ()
    return
  }
}

#map = affine_map<(d0, d1) -> (0, 0)>
#map1 = affine_map<(d0, d1) -> (0, 0, 0)>
module attributes {stable_mosaic.version = 14 : i64} {
  func.func @k(%arg0: i32, %arg1: i32, %arg2: memref<100000x128xf32, #tpu.memory_space<hbm>>, %arg3: memref<32x4x128xi32, #tpu.memory_space<hbm>>, %arg4: memref<16384x128xf32, #tpu.memory_space<hbm>>, %arg5: memref<4x128xi32, #tpu.memory_space<vmem>>, %arg6: memref<512x128xf32, #tpu.memory_space<vmem>>, %arg7: memref<!tpu.dma_semaphore, #tpu.memory_space<semaphore_mem>>) attributes {dimension_semantics = [#tpu.dimension_semantics<core_parallel>, #tpu.dimension_semantics<subcore_parallel>], iteration_bounds = array<i64: 2, 16>, scalar_prefetch = 0 : i64, scratch_operands = 3 : i64, tpu.core_type = #tpu.core_type<sc_vector_subcore>, window_params = [{transform_indices = #map}, {transform_indices = #map1}, {transform_indices = #map}]} {
    %mul3A = arith.constant 2 : i32
    %mul3A_0 = arith.muli %arg1, %mul3A : i32
    %add3A = arith.addi %mul3A_0, %arg0 : i32
    "tpu.region"() ({
      %run_scoped3A = tpu.sem_alloc : memref<!tpu.dma_semaphore, #tpu.memory_space<semaphore_mem>>
      %dma_start3A_81 = arith.constant 0 : i32
      %dma_start3A_82 = arith.constant 0 : i32
      %dma_start3A_83 = tpu.memref_slice %arg3[%add3A, %dma_start3A_81, %dma_start3A_82] : memref<32x4x128xi32, #tpu.memory_space<hbm>> -> memref<1x4x128xi32, #tpu.memory_space<hbm>>
      %dma_start3A_84 = tpu.memref_squeeze %dma_start3A_83 : memref<1x4x128xi32, #tpu.memory_space<hbm>> -> memref<4x128xi32, #tpu.memory_space<hbm>>
      %dma_start3A_85 = arith.constant 0 : i32
      %dma_start3A_86 = arith.constant 0 : i32
      %dma_start3A_87 = tpu.memref_slice %arg3[%add3A, %dma_start3A_85, %dma_start3A_86] : memref<32x4x128xi32, #tpu.memory_space<hbm>> -> memref<1x4x128xi32, #tpu.memory_space<hbm>>
      %dma_start3A_88 = tpu.memref_squeeze %dma_start3A_87 : memref<1x4x128xi32, #tpu.memory_space<hbm>> -> memref<4x128xi32, #tpu.memory_space<hbm>>
      tpu.enqueue_dma source(%dma_start3A_88 : memref<4x128xi32, #tpu.memory_space<hbm>>) target(%arg5 : memref<4x128xi32, #tpu.memory_space<vmem>>) target_semaphore(%run_scoped3A : memref<!tpu.dma_semaphore, #tpu.memory_space<semaphore_mem>>)
      %dma_wait3A_89 = arith.constant 0 : i32
      %dma_wait3A_90 = arith.constant 0 : i32
      %dma_wait3A_91 = tpu.memref_slice %arg3[%add3A, %dma_wait3A_89, %dma_wait3A_90] : memref<32x4x128xi32, #tpu.memory_space<hbm>> -> memref<1x4x128xi32, #tpu.memory_space<hbm>>
      %dma_wait3A_92 = tpu.memref_squeeze %dma_wait3A_91 : memref<1x4x128xi32, #tpu.memory_space<hbm>> -> memref<4x128xi32, #tpu.memory_space<hbm>>
      %dma_wait3A_93 = arith.constant 0 : i32
      %dma_wait3A_94 = arith.constant 0 : i32
      %dma_wait3A_95 = tpu.memref_slice %arg3[%add3A, %dma_wait3A_93, %dma_wait3A_94] : memref<32x4x128xi32, #tpu.memory_space<hbm>> -> memref<1x4x128xi32, #tpu.memory_space<hbm>>
      %dma_wait3A_96 = tpu.memref_squeeze %dma_wait3A_95 : memref<1x4x128xi32, #tpu.memory_space<hbm>> -> memref<4x128xi32, #tpu.memory_space<hbm>>
      tpu.wait_dma2 semaphore(%run_scoped3A : memref<!tpu.dma_semaphore, #tpu.memory_space<semaphore_mem>>) src(%dma_wait3A_96 : memref<4x128xi32, #tpu.memory_space<hbm>>) dst(%arg5 : memref<4x128xi32, #tpu.memory_space<vmem>>)
      tpu.yield
    }) : () -> ()
    %dma_start3A = arith.constant 0 : i32
    %dma_start3A_1 = arith.constant 0 : i32
    %dma_start3A_2 = arith.constant 0 : i32
    %dma_start3A_3 = tpu.memref_slice %arg6[%dma_start3A_1, %dma_start3A_2] : memref<512x128xf32, #tpu.memory_space<vmem>> -> memref<128x128xf32, #tpu.memory_space<vmem>>
    %dma_start3A_4 = arith.constant 0 : i32
    %dma_start3A_5 = tpu.memref_slice %arg5[%dma_start3A, %dma_start3A_4] : memref<4x128xi32, #tpu.memory_space<vmem>> -> memref<1x128xi32, #tpu.memory_space<vmem>>
    %dma_start3A_6 = tpu.memref_squeeze %dma_start3A_5 : memref<1x128xi32, #tpu.memory_space<vmem>> -> memref<128xi32, #tpu.memory_space<vmem>>
    %dma_start3A_7 = arith.constant 0 : i32
    %dma_start3A_8 = arith.constant 0 : i32
    %dma_start3A_9 = tpu.memref_slice %arg2[%dma_start3A_7, %dma_start3A_8] : memref<100000x128xf32, #tpu.memory_space<hbm>> -> memref<100000x128xf32, #tpu.memory_space<hbm>>
    tpu.enqueue_indirect_dma source(%dma_start3A_9 : memref<100000x128xf32, #tpu.memory_space<hbm>>) target(%dma_start3A_3 : memref<128x128xf32, #tpu.memory_space<vmem>>) offsets(%dma_start3A_6 : memref<128xi32, #tpu.memory_space<vmem>>) semaphore(%arg7 : memref<!tpu.dma_semaphore, #tpu.memory_space<semaphore_mem>>)
    %dma_start3A_10 = arith.constant 1 : i32
    %dma_start3A_11 = arith.constant 128 : i32
    %dma_start3A_12 = arith.constant 0 : i32
    %dma_start3A_13 = tpu.memref_slice %arg6[%dma_start3A_11, %dma_start3A_12] : memref<512x128xf32, #tpu.memory_space<vmem>> -> memref<128x128xf32, #tpu.memory_space<vmem>>
    %dma_start3A_14 = arith.constant 0 : i32
    %dma_start3A_15 = tpu.memref_slice %arg5[%dma_start3A_10, %dma_start3A_14] : memref<4x128xi32, #tpu.memory_space<vmem>> -> memref<1x128xi32, #tpu.memory_space<vmem>>
    %dma_start3A_16 = tpu.memref_squeeze %dma_start3A_15 : memref<1x128xi32, #tpu.memory_space<vmem>> -> memref<128xi32, #tpu.memory_space<vmem>>
    %dma_start3A_17 = arith.constant 0 : i32
    %dma_start3A_18 = arith.constant 0 : i32
    %dma_start3A_19 = tpu.memref_slice %arg2[%dma_start3A_17, %dma_start3A_18] : memref<100000x128xf32, #tpu.memory_space<hbm>> -> memref<100000x128xf32, #tpu.memory_space<hbm>>
    tpu.enqueue_indirect_dma source(%dma_start3A_19 : memref<100000x128xf32, #tpu.memory_space<hbm>>) target(%dma_start3A_13 : memref<128x128xf32, #tpu.memory_space<vmem>>) offsets(%dma_start3A_16 : memref<128xi32, #tpu.memory_space<vmem>>) semaphore(%arg7 : memref<!tpu.dma_semaphore, #tpu.memory_space<semaphore_mem>>)
    %dma_start3A_20 = arith.constant 2 : i32
    %dma_start3A_21 = arith.constant 256 : i32
    %dma_start3A_22 = arith.constant 0 : i32
    %dma_start3A_23 = tpu.memref_slice %arg6[%dma_start3A_21, %dma_start3A_22] : memref<512x128xf32, #tpu.memory_space<vmem>> -> memref<128x128xf32, #tpu.memory_space<vmem>>
    %dma_start3A_24 = arith.constant 0 : i32
    %dma_start3A_25 = tpu.memref_slice %arg5[%dma_start3A_20, %dma_start3A_24] : memref<4x128xi32, #tpu.memory_space<vmem>> -> memref<1x128xi32, #tpu.memory_space<vmem>>
    %dma_start3A_26 = tpu.memref_squeeze %dma_start3A_25 : memref<1x128xi32, #tpu.memory_space<vmem>> -> memref<128xi32, #tpu.memory_space<vmem>>
    %dma_start3A_27 = arith.constant 0 : i32
    %dma_start3A_28 = arith.constant 0 : i32
    %dma_start3A_29 = tpu.memref_slice %arg2[%dma_start3A_27, %dma_start3A_28] : memref<100000x128xf32, #tpu.memory_space<hbm>> -> memref<100000x128xf32, #tpu.memory_space<hbm>>
    tpu.enqueue_indirect_dma source(%dma_start3A_29 : memref<100000x128xf32, #tpu.memory_space<hbm>>) target(%dma_start3A_23 : memref<128x128xf32, #tpu.memory_space<vmem>>) offsets(%dma_start3A_26 : memref<128xi32, #tpu.memory_space<vmem>>) semaphore(%arg7 : memref<!tpu.dma_semaphore, #tpu.memory_space<semaphore_mem>>)
    %dma_start3A_30 = arith.constant 3 : i32
    %dma_start3A_31 = arith.constant 384 : i32
    %dma_start3A_32 = arith.constant 0 : i32
    %dma_start3A_33 = tpu.memref_slice %arg6[%dma_start3A_31, %dma_start3A_32] : memref<512x128xf32, #tpu.memory_space<vmem>> -> memref<128x128xf32, #tpu.memory_space<vmem>>
    %dma_start3A_34 = arith.constant 0 : i32
    %dma_start3A_35 = tpu.memref_slice %arg5[%dma_start3A_30, %dma_start3A_34] : memref<4x128xi32, #tpu.memory_space<vmem>> -> memref<1x128xi32, #tpu.memory_space<vmem>>
    %dma_start3A_36 = tpu.memref_squeeze %dma_start3A_35 : memref<1x128xi32, #tpu.memory_space<vmem>> -> memref<128xi32, #tpu.memory_space<vmem>>
    %dma_start3A_37 = arith.constant 0 : i32
    %dma_start3A_38 = arith.constant 0 : i32
    %dma_start3A_39 = tpu.memref_slice %arg2[%dma_start3A_37, %dma_start3A_38] : memref<100000x128xf32, #tpu.memory_space<hbm>> -> memref<100000x128xf32, #tpu.memory_space<hbm>>
    tpu.enqueue_indirect_dma source(%dma_start3A_39 : memref<100000x128xf32, #tpu.memory_space<hbm>>) target(%dma_start3A_33 : memref<128x128xf32, #tpu.memory_space<vmem>>) offsets(%dma_start3A_36 : memref<128xi32, #tpu.memory_space<vmem>>) semaphore(%arg7 : memref<!tpu.dma_semaphore, #tpu.memory_space<semaphore_mem>>)
    %dma_wait3A = arith.constant 0 : i32
    %dma_wait3A_40 = arith.constant 0 : i32
    %dma_wait3A_41 = arith.constant 0 : i32
    %dma_wait3A_42 = tpu.memref_slice %arg6[%dma_wait3A_40, %dma_wait3A_41] : memref<512x128xf32, #tpu.memory_space<vmem>> -> memref<128x128xf32, #tpu.memory_space<vmem>>
    %dma_wait3A_43 = arith.constant 0 : i32
    %dma_wait3A_44 = tpu.memref_slice %arg5[%dma_wait3A, %dma_wait3A_43] : memref<4x128xi32, #tpu.memory_space<vmem>> -> memref<1x128xi32, #tpu.memory_space<vmem>>
    %dma_wait3A_45 = tpu.memref_squeeze %dma_wait3A_44 : memref<1x128xi32, #tpu.memory_space<vmem>> -> memref<128xi32, #tpu.memory_space<vmem>>
    %dma_wait3A_46 = arith.constant 0 : i32
    %dma_wait3A_47 = arith.constant 0 : i32
    %dma_wait3A_48 = tpu.memref_slice %arg2[%dma_wait3A_46, %dma_wait3A_47] : memref<100000x128xf32, #tpu.memory_space<hbm>> -> memref<100000x128xf32, #tpu.memory_space<hbm>>
    tpu.wait_indirect_dma semaphore(%arg7 : memref<!tpu.dma_semaphore, #tpu.memory_space<semaphore_mem>>) src(%dma_wait3A_48 : memref<100000x128xf32, #tpu.memory_space<hbm>>) dst(%dma_wait3A_42 : memref<128x128xf32, #tpu.memory_space<vmem>>)
    %dma_wait3A_49 = arith.constant 1 : i32
    %dma_wait3A_50 = arith.constant 128 : i32
    %dma_wait3A_51 = arith.constant 0 : i32
    %dma_wait3A_52 = tpu.memref_slice %arg6[%dma_wait3A_50, %dma_wait3A_51] : memref<512x128xf32, #tpu.memory_space<vmem>> -> memref<128x128xf32, #tpu.memory_space<vmem>>
    %dma_wait3A_53 = arith.constant 0 : i32
    %dma_wait3A_54 = tpu.memref_slice %arg5[%dma_wait3A_49, %dma_wait3A_53] : memref<4x128xi32, #tpu.memory_space<vmem>> -> memref<1x128xi32, #tpu.memory_space<vmem>>
    %dma_wait3A_55 = tpu.memref_squeeze %dma_wait3A_54 : memref<1x128xi32, #tpu.memory_space<vmem>> -> memref<128xi32, #tpu.memory_space<vmem>>
    %dma_wait3A_56 = arith.constant 0 : i32
    %dma_wait3A_57 = arith.constant 0 : i32
    %dma_wait3A_58 = tpu.memref_slice %arg2[%dma_wait3A_56, %dma_wait3A_57] : memref<100000x128xf32, #tpu.memory_space<hbm>> -> memref<100000x128xf32, #tpu.memory_space<hbm>>
    tpu.wait_indirect_dma semaphore(%arg7 : memref<!tpu.dma_semaphore, #tpu.memory_space<semaphore_mem>>) src(%dma_wait3A_58 : memref<100000x128xf32, #tpu.memory_space<hbm>>) dst(%dma_wait3A_52 : memref<128x128xf32, #tpu.memory_space<vmem>>)
    %dma_wait3A_59 = arith.constant 2 : i32
    %dma_wait3A_60 = arith.constant 256 : i32
    %dma_wait3A_61 = arith.constant 0 : i32
    %dma_wait3A_62 = tpu.memref_slice %arg6[%dma_wait3A_60, %dma_wait3A_61] : memref<512x128xf32, #tpu.memory_space<vmem>> -> memref<128x128xf32, #tpu.memory_space<vmem>>
    %dma_wait3A_63 = arith.constant 0 : i32
    %dma_wait3A_64 = tpu.memref_slice %arg5[%dma_wait3A_59, %dma_wait3A_63] : memref<4x128xi32, #tpu.memory_space<vmem>> -> memref<1x128xi32, #tpu.memory_space<vmem>>
    %dma_wait3A_65 = tpu.memref_squeeze %dma_wait3A_64 : memref<1x128xi32, #tpu.memory_space<vmem>> -> memref<128xi32, #tpu.memory_space<vmem>>
    %dma_wait3A_66 = arith.constant 0 : i32
    %dma_wait3A_67 = arith.constant 0 : i32
    %dma_wait3A_68 = tpu.memref_slice %arg2[%dma_wait3A_66, %dma_wait3A_67] : memref<100000x128xf32, #tpu.memory_space<hbm>> -> memref<100000x128xf32, #tpu.memory_space<hbm>>
    tpu.wait_indirect_dma semaphore(%arg7 : memref<!tpu.dma_semaphore, #tpu.memory_space<semaphore_mem>>) src(%dma_wait3A_68 : memref<100000x128xf32, #tpu.memory_space<hbm>>) dst(%dma_wait3A_62 : memref<128x128xf32, #tpu.memory_space<vmem>>)
    %dma_wait3A_69 = arith.constant 3 : i32
    %dma_wait3A_70 = arith.constant 384 : i32
    %dma_wait3A_71 = arith.constant 0 : i32
    %dma_wait3A_72 = tpu.memref_slice %arg6[%dma_wait3A_70, %dma_wait3A_71] : memref<512x128xf32, #tpu.memory_space<vmem>> -> memref<128x128xf32, #tpu.memory_space<vmem>>
    %dma_wait3A_73 = arith.constant 0 : i32
    %dma_wait3A_74 = tpu.memref_slice %arg5[%dma_wait3A_69, %dma_wait3A_73] : memref<4x128xi32, #tpu.memory_space<vmem>> -> memref<1x128xi32, #tpu.memory_space<vmem>>
    %dma_wait3A_75 = tpu.memref_squeeze %dma_wait3A_74 : memref<1x128xi32, #tpu.memory_space<vmem>> -> memref<128xi32, #tpu.memory_space<vmem>>
    %dma_wait3A_76 = arith.constant 0 : i32
    %dma_wait3A_77 = arith.constant 0 : i32
    %dma_wait3A_78 = tpu.memref_slice %arg2[%dma_wait3A_76, %dma_wait3A_77] : memref<100000x128xf32, #tpu.memory_space<hbm>> -> memref<100000x128xf32, #tpu.memory_space<hbm>>
    tpu.wait_indirect_dma semaphore(%arg7 : memref<!tpu.dma_semaphore, #tpu.memory_space<semaphore_mem>>) src(%dma_wait3A_78 : memref<100000x128xf32, #tpu.memory_space<hbm>>) dst(%dma_wait3A_72 : memref<128x128xf32, #tpu.memory_space<vmem>>)
    %mul3A_79 = arith.constant 512 : i32
    %mul3A_80 = arith.muli %add3A, %mul3A_79 : i32
    "tpu.region"() ({
      %run_scoped3A = tpu.sem_alloc : memref<!tpu.dma_semaphore, #tpu.memory_space<semaphore_mem>>
      %dma_start3A_81 = arith.constant 0 : i32
      %dma_start3A_82 = tpu.memref_slice %arg4[%mul3A_80, %dma_start3A_81] : memref<16384x128xf32, #tpu.memory_space<hbm>> -> memref<512x128xf32, #tpu.memory_space<hbm>>
      %dma_start3A_83 = arith.constant 0 : i32
      %dma_start3A_84 = tpu.memref_slice %arg4[%mul3A_80, %dma_start3A_83] : memref<16384x128xf32, #tpu.memory_space<hbm>> -> memref<512x128xf32, #tpu.memory_space<hbm>>
      tpu.enqueue_dma source(%arg6 : memref<512x128xf32, #tpu.memory_space<vmem>>) target(%dma_start3A_84 : memref<512x128xf32, #tpu.memory_space<hbm>>) target_semaphore(%run_scoped3A : memref<!tpu.dma_semaphore, #tpu.memory_space<semaphore_mem>>)
      %dma_wait3A_85 = arith.constant 0 : i32
      %dma_wait3A_86 = tpu.memref_slice %arg4[%mul3A_80, %dma_wait3A_85] : memref<16384x128xf32, #tpu.memory_space<hbm>> -> memref<512x128xf32, #tpu.memory_space<hbm>>
      %dma_wait3A_87 = arith.constant 0 : i32
      %dma_wait3A_88 = tpu.memref_slice %arg4[%mul3A_80, %dma_wait3A_87] : memref<16384x128xf32, #tpu.memory_space<hbm>> -> memref<512x128xf32, #tpu.memory_space<hbm>>
      tpu.wait_dma2 semaphore(%run_scoped3A : memref<!tpu.dma_semaphore, #tpu.memory_space<semaphore_mem>>) src(%arg6 : memref<512x128xf32, #tpu.memory_space<vmem>>) dst(%dma_wait3A_88 : memref<512x128xf32, #tpu.memory_space<hbm>>)
      tpu.yield
    }) : () -> ()
    return
  }
}

module attributes {stable_mosaic.version = 14 : i64} {
  func.func @_tp_kernel(%arg0: i32, %arg1: memref<100x25600xf32, #tpu.memory_space<vmem>>, %arg2: memref<100x128xf32, #tpu.memory_space<vmem>>, %arg3: memref<25600x128xf32, #tpu.memory_space<vmem>>) attributes {dimension_semantics = [#tpu.dimension_semantics<arbitrary>], iteration_bounds = array<i64: 4>, scalar_prefetch = 0 : i64, scratch_operands = 0 : i64, tpu.core_type = #tpu.core_type<tc>, window_params = [{transform_indices = @transform_0, window_bounds = array<i64: 100, 25600>}, {pipeline_mode = #tpu.pipeline_mode<synchronous>, transform_indices = @transform_1, window_bounds = array<i64: 100, 128>}, {transform_indices = @transform_2, window_bounds = array<i64: 25600, 128>}]} {
    %get3A = arith.constant 0 : index
    %get3A_0 = arith.constant 0 : index
    %get3A_1 = vector.load %arg1[%get3A, %get3A_0] : memref<100x25600xf32, #tpu.memory_space<vmem>>, vector<100x25600xf32>
    %get3A_2 = arith.constant 0 : index
    %get3A_3 = arith.constant 0 : index
    %get3A_4 = vector.load %arg2[%get3A_2, %get3A_3] : memref<100x128xf32, #tpu.memory_space<vmem>>, vector<100x128xf32>
    %dot_general3A = arith.constant dense<0.000000e+00> : vector<25600x128xf32>
    %dot_general3A_5 = tpu.matmul %get3A_1, %get3A_4, %dot_general3A {dimension_numbers = #tpu.dot_dimension_numbers<[0], [0], [1], [1], [0, 1, 1, 1], [], []>, transpose_lhs_hint = false} : vector<100x25600xf32>, vector<100x128xf32>, vector<25600x128xf32> -> vector<25600x128xf32>
    %swap3A = arith.constant 0 : index
    %swap3A_6 = arith.constant 0 : index
    %swap3A_7 = vector.load %arg3[%swap3A, %swap3A_6] : memref<25600x128xf32, #tpu.memory_space<vmem>>, vector<25600x128xf32>
    tpu.vector_store %arg3[%swap3A, %swap3A_6], %dot_general3A_5 {strides = array<i32>} : memref<25600x128xf32, #tpu.memory_space<vmem>>, vector<25600x128xf32>,
    return
  }
  func.func @transform_0(%arg0: i32) -> (i32, i32) {
    %c0_i32 = arith.constant 0 : i32
    %c0_i32_0 = arith.constant 0 : i32
    return %c0_i32, %arg0 : i32, i32
  }
  func.func @transform_1(%arg0: i32) -> (i32, i32) {
    %c0_i32 = arith.constant 0 : i32
    %c0_i32_0 = arith.constant 0 : i32
    %c0_i32_1 = arith.constant 0 : i32
    return %c0_i32, %c0_i32_0 : i32, i32
  }
  func.func @transform_2(%arg0: i32) -> (i32, i32) {
    %c0_i32 = arith.constant 0 : i32
    %c0_i32_0 = arith.constant 0 : i32
    return %arg0, %c0_i32 : i32, i32
  }
}

module attributes {stable_mosaic.version = 14 : i64} {
  func.func @_dense_kernel(%arg0: memref<16384x128xf32, #tpu.memory_space<vmem>>, %arg1: memref<8192x128xf32, #tpu.memory_space<vmem>>, %arg2: memref<2048x8xf32, #tpu.memory_space<vmem>>, %arg3: memref<200x100xf32, #tpu.memory_space<vmem>>, %arg4: memref<1x100xf32, #tpu.memory_space<vmem>>, %arg5: memref<301x500xf32, #tpu.memory_space<vmem>>, %arg6: memref<1x500xf32, #tpu.memory_space<vmem>>, %arg7: memref<500x200xf32, #tpu.memory_space<vmem>>, %arg8: memref<1x200xf32, #tpu.memory_space<vmem>>, %arg9: memref<200x100xf32, #tpu.memory_space<vmem>>, %arg10: memref<1x100xf32, #tpu.memory_space<vmem>>, %arg11: memref<100x100xf32, #tpu.memory_space<vmem>>, %arg12: memref<1x100xf32, #tpu.memory_space<vmem>>, %arg13: memref<100x100xf32, #tpu.memory_space<vmem>>, %arg14: memref<1x100xf32, #tpu.memory_space<vmem>>, %arg15: memref<200x100xf32, #tpu.memory_space<vmem>>, %arg16: memref<1x100xf32, #tpu.memory_space<vmem>>, %arg17: memref<64x100xf32, #tpu.memory_space<vmem>>, %arg18: memref<64x65xf32, #tpu.memory_space<vmem>>) attributes {dimension_semantics = [], scalar_prefetch = 0 : i64, scratch_operands = 0 : i64, tpu.core_type = #tpu.core_type<tc>} {
    %get3A = arith.constant 2048 : index
    %get3A_0 = arith.constant 0 : index
    %get3A_1 = vector.load %arg0[%get3A, %get3A_0] : memref<16384x128xf32, #tpu.memory_space<vmem>>, vector<2048x100xf32>
    %get3A_2 = arith.constant 0 : index
    %get3A_3 = arith.constant 0 : index
    %get3A_4 = vector.load %arg1[%get3A_2, %get3A_3] : memref<8192x128xf32, #tpu.memory_space<vmem>>, vector<2048x100xf32>
    %get3A_5 = arith.constant 0 : index
    %get3A_6 = arith.constant 0 : index
    %get3A_7 = vector.load %arg3[%get3A_5, %get3A_6] : memref<200x100xf32, #tpu.memory_space<vmem>>, vector<100x100xf32>
    %get3A_8 = arith.constant 100 : index
    %get3A_9 = arith.constant 0 : index
    %get3A_10 = vector.load %arg3[%get3A_8, %get3A_9] : memref<200x100xf32, #tpu.memory_space<vmem>>, vector<100x100xf32>
    %dot_general3A = arith.constant dense<0.000000e+00> : vector<2048x100xf32>
    %dot_general3A_11 = tpu.matmul %get3A_1, %get3A_7, %dot_general3A {dimension_numbers = #tpu.dot_dimension_numbers<[1], [0], [0], [1], [0, 0, 1, 1], [], []>, transpose_lhs_hint = false} : vector<2048x100xf32>, vector<100x100xf32>, vector<2048x100xf32> -> vector<2048x100xf32>
    %dot_general3A_12 = arith.constant dense<0.000000e+00> : vector<2048x100xf32>
    %dot_general3A_13 = tpu.matmul %get3A_4, %get3A_10, %dot_general3A_12 {dimension_numbers = #tpu.dot_dimension_numbers<[1], [0], [0], [1], [0, 0, 1, 1], [], []>, transpose_lhs_hint = false} : vector<2048x100xf32>, vector<100x100xf32>, vector<2048x100xf32> -> vector<2048x100xf32>
    %add3A = arith.addf %dot_general3A_11, %dot_general3A_13 : vector<2048x100xf32>
    %get3A_14 = arith.constant 0 : index
    %get3A_15 = arith.constant 0 : index
    %get3A_16 = vector.load %arg4[%get3A_14, %get3A_15] : memref<1x100xf32, #tpu.memory_space<vmem>>, vector<1x100xf32>
    %get3A_17 = vector.shape_cast %get3A_16 : vector<1x100xf32> to vector<100xf32>
    %broadcast_in_dim3A = vector.shape_cast %get3A_17 : vector<100xf32> to vector<1x100xf32>
    %add3A_18 = vector.broadcast %broadcast_in_dim3A : vector<1x100xf32> to vector<2048x100xf32>
    %add3A_19 = arith.addf %add3A, %add3A_18 : vector<2048x100xf32>
    %max3A = arith.constant 0.000000e+00 : f32
    %max3A_20 = vector.broadcast %max3A : f32 to vector<2048x100xf32>
    %max3A_21 = arith.maximumf %add3A_19, %max3A_20 : vector<2048x100xf32>
    %reshape3A = vector.shape_cast %max3A_21 : vector<2048x100xf32> to vector<64x32x100xf32>
    %reduce_sum3A = arith.constant dense<0.000000e+00> : vector<64x100xf32>
    %reduce_sum3A_22 = vector.multi_reduction <add>, %reshape3A, %reduce_sum3A [1] : vector<64x32x100xf32> to vector<64x100xf32>
    %mul3A = arith.constant 3.125000e-02 : f32
    %mul3A_23 = vector.broadcast %mul3A : f32 to vector<64x100xf32>
    %mul3A_24 = arith.mulf %reduce_sum3A_22, %mul3A_23 : vector<64x100xf32>
    %broadcast_in_dim3A_25 = vector.shape_cast %mul3A_24 : vector<64x100xf32> to vector<64x1x100xf32>
    %broadcast_in_dim3A_26 = vector.broadcast %broadcast_in_dim3A_25 : vector<64x1x100xf32> to vector<64x32x100xf32>
    %reshape3A_27 = vector.shape_cast %broadcast_in_dim3A_26 : vector<64x32x100xf32> to vector<2048x100xf32>
    %get3A_28 = arith.constant 0 : index
    %get3A_29 = arith.constant 0 : index
    %get3A_30 = vector.load %arg5[%get3A_28, %get3A_29] : memref<301x500xf32, #tpu.memory_space<vmem>>, vector<100x500xf32>
    %convert_element_type3A = arith.truncf %get3A_30 : vector<100x500xf32> to vector<100x500xbf16>
    %get3A_31 = arith.constant 100 : index
    %get3A_32 = arith.constant 0 : index
    %get3A_33 = vector.load %arg5[%get3A_31, %get3A_32] : memref<301x500xf32, #tpu.memory_space<vmem>>, vector<100x500xf32>
    %convert_element_type3A_34 = arith.truncf %get3A_33 : vector<100x500xf32> to vector<100x500xbf16>
    %get3A_35 = arith.constant 200 : index
    %get3A_36 = arith.constant 0 : index
    %get3A_37 = vector.load %arg5[%get3A_35, %get3A_36] : memref<301x500xf32, #tpu.memory_space<vmem>>, vector<100x500xf32>
    %convert_element_type3A_38 = arith.truncf %get3A_37 : vector<100x500xf32> to vector<100x500xbf16>
    %get3A_39 = arith.constant 0 : index
    %get3A_40 = arith.constant 0 : index
    %get3A_41 = vector.load %arg7[%get3A_39, %get3A_40] : memref<500x200xf32, #tpu.memory_space<vmem>>, vector<500x200xf32>
    %convert_element_type3A_42 = arith.truncf %get3A_41 : vector<500x200xf32> to vector<500x200xbf16>
    %get3A_43 = arith.constant 300 : index
    %get3A_44 = arith.constant 0 : index
    %get3A_45 = vector.load %arg5[%get3A_43, %get3A_44] : memref<301x500xf32, #tpu.memory_space<vmem>>, vector<1x500xf32>
    %get3A_46 = arith.constant 0 : index
    %get3A_47 = arith.constant 0 : index
    %get3A_48 = vector.load %arg0[%get3A_46, %get3A_47] : memref<16384x128xf32, #tpu.memory_space<vmem>>, vector<2048x100xf32>
    %get3A_49 = arith.constant 0 : index
    %get3A_50 = arith.constant 0 : index
    %get3A_51 = vector.load %arg2[%get3A_49, %get3A_50] : memref<2048x8xf32, #tpu.memory_space<vmem>>, vector<2048x1xf32>
    %sub3A = arith.subf %reshape3A_27, %get3A_48 : vector<2048x100xf32>
    %mul3A_52 = vector.broadcast %get3A_51 : vector<2048x1xf32> to vector<2048x100xf32>
    %mul3A_53 = arith.mulf %mul3A_52, %sub3A : vector<2048x100xf32>
    %add3A_54 = arith.addf %get3A_48, %mul3A_53 : vector<2048x100xf32>
    %get3A_55 = arith.constant 2048 : index
    %get3A_56 = arith.constant 0 : index
    %get3A_57 = vector.load %arg0[%get3A_55, %get3A_56] : memref<16384x128xf32, #tpu.memory_space<vmem>>, vector<2048x100xf32>
    %get3A_58 = arith.constant 0 : index
    %get3A_59 = arith.constant 1 : index
    %get3A_60 = vector.load %arg2[%get3A_58, %get3A_59] : memref<2048x8xf32, #tpu.memory_space<vmem>>, vector<2048x1xf32>
    %sub3A_61 = arith.subf %reshape3A_27, %get3A_57 : vector<2048x100xf32>
    %mul3A_62 = vector.broadcast %get3A_60 : vector<2048x1xf32> to vector<2048x100xf32>
    %mul3A_63 = arith.mulf %mul3A_62, %sub3A_61 : vector<2048x100xf32>
    %add3A_64 = arith.addf %get3A_57, %mul3A_63 : vector<2048x100xf32>
    %get3A_65 = arith.constant 0 : index
    %get3A_66 = arith.constant 0 : index
    %get3A_67 = vector.load %arg1[%get3A_65, %get3A_66] : memref<8192x128xf32, #tpu.memory_space<vmem>>, vector<2048x100xf32>
    %convert_element_type3A_68 = arith.truncf %add3A_54 : vector<2048x100xf32> to vector<2048x100xbf16>
    %dot_general3A_69 = arith.constant dense<0.000000e+00> : vector<2048x500xf32>
    %dot_general3A_70 = tpu.matmul %convert_element_type3A_68, %convert_element_type3A, %dot_general3A_69 {dimension_numbers = #tpu.dot_dimension_numbers<[1], [0], [0], [1], [0, 0, 1, 1], [], []>, transpose_lhs_hint = false} : vector<2048x100xbf16>, vector<100x500xbf16>, vector<2048x500xf32> -> vector<2048x500xf32>
    %convert_element_type3A_71 = arith.truncf %get3A_67 : vector<2048x100xf32> to vector<2048x100xbf16>
    %dot_general3A_72 = arith.constant dense<0.000000e+00> : vector<2048x500xf32>
    %dot_general3A_73 = tpu.matmul %convert_element_type3A_71, %convert_element_type3A_34, %dot_general3A_72 {dimension_numbers = #tpu.dot_dimension_numbers<[1], [0], [0], [1], [0, 0, 1, 1], [], []>, transpose_lhs_hint = false} : vector<2048x100xbf16>, vector<100x500xbf16>, vector<2048x500xf32> -> vector<2048x500xf32>
    %add3A_74 = arith.addf %dot_general3A_70, %dot_general3A_73 : vector<2048x500xf32>
    %convert_element_type3A_75 = arith.truncf %add3A_64 : vector<2048x100xf32> to vector<2048x100xbf16>
    %dot_general3A_76 = arith.constant dense<0.000000e+00> : vector<2048x500xf32>
    %dot_general3A_77 = tpu.matmul %convert_element_type3A_75, %convert_element_type3A_38, %dot_general3A_76 {dimension_numbers = #tpu.dot_dimension_numbers<[1], [0], [0], [1], [0, 0, 1, 1], [], []>, transpose_lhs_hint = false} : vector<2048x100xbf16>, vector<100x500xbf16>, vector<2048x500xf32> -> vector<2048x500xf32>
    %add3A_78 = arith.addf %add3A_74, %dot_general3A_77 : vector<2048x500xf32>
    %get3A_79 = arith.constant 0 : index
    %get3A_80 = arith.constant 0 : index
    %get3A_81 = vector.load %arg6[%get3A_79, %get3A_80] : memref<1x500xf32, #tpu.memory_space<vmem>>, vector<1x500xf32>
    %get3A_82 = vector.shape_cast %get3A_81 : vector<1x500xf32> to vector<500xf32>
    %squeeze3A = vector.shape_cast %get3A_45 : vector<1x500xf32> to vector<500xf32>
    %mul3A_83 = arith.constant 1.000000e+00 : f32
    %mul3A_84 = vector.broadcast %mul3A_83 : f32 to vector<500xf32>
    %mul3A_85 = arith.mulf %mul3A_84, %squeeze3A : vector<500xf32>
    %add3A_86 = arith.addf %get3A_82, %mul3A_85 : vector<500xf32>
    %broadcast_in_dim3A_87 = vector.shape_cast %add3A_86 : vector<500xf32> to vector<1x500xf32>
    %add3A_88 = vector.broadcast %broadcast_in_dim3A_87 : vector<1x500xf32> to vector<2048x500xf32>
    %add3A_89 = arith.addf %add3A_78, %add3A_88 : vector<2048x500xf32>
    %max3A_90 = arith.constant 0.000000e+00 : f32
    %max3A_91 = vector.broadcast %max3A_90 : f32 to vector<2048x500xf32>
    %max3A_92 = arith.maximumf %add3A_89, %max3A_91 : vector<2048x500xf32>
    %convert_element_type3A_93 = arith.truncf %max3A_92 : vector<2048x500xf32> to vector<2048x500xbf16>
    %dot_general3A_94 = arith.constant dense<0.000000e+00> : vector<2048x200xf32>
    %dot_general3A_95 = tpu.matmul %convert_element_type3A_93, %convert_element_type3A_42, %dot_general3A_94 {dimension_numbers = #tpu.dot_dimension_numbers<[1], [0], [0], [1], [0, 0, 1, 1], [], []>, transpose_lhs_hint = false} : vector<2048x500xbf16>, vector<500x200xbf16>, vector<2048x200xf32> -> vector<2048x200xf32>
    %get3A_96 = arith.constant 0 : index
    %get3A_97 = arith.constant 0 : index
    %get3A_98 = vector.load %arg8[%get3A_96, %get3A_97] : memref<1x200xf32, #tpu.memory_space<vmem>>, vector<1x200xf32>
    %get3A_99 = vector.shape_cast %get3A_98 : vector<1x200xf32> to vector<200xf32>
    %broadcast_in_dim3A_100 = vector.shape_cast %get3A_99 : vector<200xf32> to vector<1x200xf32>
    %add3A_101 = vector.broadcast %broadcast_in_dim3A_100 : vector<1x200xf32> to vector<2048x200xf32>
    %add3A_102 = arith.addf %dot_general3A_95, %add3A_101 : vector<2048x200xf32>
    %max3A_103 = arith.constant 0.000000e+00 : f32
    %max3A_104 = vector.broadcast %max3A_103 : f32 to vector<2048x200xf32>
    %max3A_105 = arith.maximumf %add3A_102, %max3A_104 : vector<2048x200xf32>
    %reshape3A_106 = vector.shape_cast %max3A_105 : vector<2048x200xf32> to vector<64x32x200xf32>
    %reduce_sum3A_107 = arith.constant dense<0.000000e+00> : vector<64x200xf32>
    %reduce_sum3A_108 = vector.multi_reduction <add>, %reshape3A_106, %reduce_sum3A_107 [1] : vector<64x32x200xf32> to vector<64x200xf32>
    %get3A_109 = arith.constant 4096 : index
    %get3A_110 = arith.constant 0 : index
    %get3A_111 = vector.load %arg0[%get3A_109, %get3A_110] : memref<16384x128xf32, #tpu.memory_space<vmem>>, vector<2048x100xf32>
    %get3A_112 = arith.constant 0 : index
    %get3A_113 = arith.constant 2 : index
    %get3A_114 = vector.load %arg2[%get3A_112, %get3A_113] : memref<2048x8xf32, #tpu.memory_space<vmem>>, vector<2048x1xf32>
    %sub3A_115 = arith.subf %reshape3A_27, %get3A_111 : vector<2048x100xf32>
    %mul3A_116 = vector.broadcast %get3A_114 : vector<2048x1xf32> to vector<2048x100xf32>
    %mul3A_117 = arith.mulf %mul3A_116, %sub3A_115 : vector<2048x100xf32>
    %add3A_118 = arith.addf %get3A_111, %mul3A_117 : vector<2048x100xf32>
    %get3A_119 = arith.constant 6144 : index
    %get3A_120 = arith.constant 0 : index
    %get3A_121 = vector.load %arg0[%get3A_119, %get3A_120] : memref<16384x128xf32, #tpu.memory_space<vmem>>, vector<2048x100xf32>
    %get3A_122 = arith.constant 0 : index
    %get3A_123 = arith.constant 3 : index
    %get3A_124 = vector.load %arg2[%get3A_122, %get3A_123] : memref<2048x8xf32, #tpu.memory_space<vmem>>, vector<2048x1xf32>
    %sub3A_125 = arith.subf %reshape3A_27, %get3A_121 : vector<2048x100xf32>
    %mul3A_126 = vector.broadcast %get3A_124 : vector<2048x1xf32> to vector<2048x100xf32>
    %mul3A_127 = arith.mulf %mul3A_126, %sub3A_125 : vector<2048x100xf32>
    %add3A_128 = arith.addf %get3A_121, %mul3A_127 : vector<2048x100xf32>
    %get3A_129 = arith.constant 2048 : index
    %get3A_130 = arith.constant 0 : index
    %get3A_131 = vector.load %arg1[%get3A_129, %get3A_130] : memref<8192x128xf32, #tpu.memory_space<vmem>>, vector<2048x100xf32>
    %convert_element_type3A_132 = arith.truncf %add3A_118 : vector<2048x100xf32> to vector<2048x100xbf16>
    %dot_general3A_133 = arith.constant dense<0.000000e+00> : vector<2048x500xf32>
    %dot_general3A_134 = tpu.matmul %convert_element_type3A_132, %convert_element_type3A, %dot_general3A_133 {dimension_numbers = #tpu.dot_dimension_numbers<[1], [0], [0], [1], [0, 0, 1, 1], [], []>, transpose_lhs_hint = false} : vector<2048x100xbf16>, vector<100x500xbf16>, vector<2048x500xf32> -> vector<2048x500xf32>
    %convert_element_type3A_135 = arith.truncf %get3A_131 : vector<2048x100xf32> to vector<2048x100xbf16>
    %dot_general3A_136 = arith.constant dense<0.000000e+00> : vector<2048x500xf32>
    %dot_general3A_137 = tpu.matmul %convert_element_type3A_135, %convert_element_type3A_34, %dot_general3A_136 {dimension_numbers = #tpu.dot_dimension_numbers<[1], [0], [0], [1], [0, 0, 1, 1], [], []>, transpose_lhs_hint = false} : vector<2048x100xbf16>, vector<100x500xbf16>, vector<2048x500xf32> -> vector<2048x500xf32>
    %add3A_138 = arith.addf %dot_general3A_134, %dot_general3A_137 : vector<2048x500xf32>
    %convert_element_type3A_139 = arith.truncf %add3A_128 : vector<2048x100xf32> to vector<2048x100xbf16>
    %dot_general3A_140 = arith.constant dense<0.000000e+00> : vector<2048x500xf32>
    %dot_general3A_141 = tpu.matmul %convert_element_type3A_139, %convert_element_type3A_38, %dot_general3A_140 {dimension_numbers = #tpu.dot_dimension_numbers<[1], [0], [0], [1], [0, 0, 1, 1], [], []>, transpose_lhs_hint = false} : vector<2048x100xbf16>, vector<100x500xbf16>, vector<2048x500xf32> -> vector<2048x500xf32>
    %add3A_142 = arith.addf %add3A_138, %dot_general3A_141 : vector<2048x500xf32>
    %get3A_143 = arith.constant 0 : index
    %get3A_144 = arith.constant 0 : index
    %get3A_145 = vector.load %arg6[%get3A_143, %get3A_144] : memref<1x500xf32, #tpu.memory_space<vmem>>, vector<1x500xf32>
    %get3A_146 = vector.shape_cast %get3A_145 : vector<1x500xf32> to vector<500xf32>
    %squeeze3A_147 = vector.shape_cast %get3A_45 : vector<1x500xf32> to vector<500xf32>
    %mul3A_148 = arith.constant 0.000000e+00 : f32
    %mul3A_149 = vector.broadcast %mul3A_148 : f32 to vector<500xf32>
    %mul3A_150 = arith.mulf %mul3A_149, %squeeze3A_147 : vector<500xf32>
    %add3A_151 = arith.addf %get3A_146, %mul3A_150 : vector<500xf32>
    %broadcast_in_dim3A_152 = vector.shape_cast %add3A_151 : vector<500xf32> to vector<1x500xf32>
    %add3A_153 = vector.broadcast %broadcast_in_dim3A_152 : vector<1x500xf32> to vector<2048x500xf32>
    %add3A_154 = arith.addf %add3A_142, %add3A_153 : vector<2048x500xf32>
    %max3A_155 = arith.constant 0.000000e+00 : f32
    %max3A_156 = vector.broadcast %max3A_155 : f32 to vector<2048x500xf32>
    %max3A_157 = arith.maximumf %add3A_154, %max3A_156 : vector<2048x500xf32>
    %convert_element_type3A_158 = arith.truncf %max3A_157 : vector<2048x500xf32> to vector<2048x500xbf16>
    %dot_general3A_159 = arith.constant dense<0.000000e+00> : vector<2048x200xf32>
    %dot_general3A_160 = tpu.matmul %convert_element_type3A_158, %convert_element_type3A_42, %dot_general3A_159 {dimension_numbers = #tpu.dot_dimension_numbers<[1], [0], [0], [1], [0, 0, 1, 1], [], []>, transpose_lhs_hint = false} : vector<2048x500xbf16>, vector<500x200xbf16>, vector<2048x200xf32> -> vector<2048x200xf32>
    %get3A_161 = arith.constant 0 : index
    %get3A_162 = arith.constant 0 : index
    %get3A_163 = vector.load %arg8[%get3A_161, %get3A_162] : memref<1x200xf32, #tpu.memory_space<vmem>>, vector<1x200xf32>
    %get3A_164 = vector.shape_cast %get3A_163 : vector<1x200xf32> to vector<200xf32>
    %broadcast_in_dim3A_165 = vector.shape_cast %get3A_164 : vector<200xf32> to vector<1x200xf32>
    %add3A_166 = vector.broadcast %broadcast_in_dim3A_165 : vector<1x200xf32> to vector<2048x200xf32>
    %add3A_167 = arith.addf %dot_general3A_160, %add3A_166 : vector<2048x200xf32>
    %max3A_168 = arith.constant 0.000000e+00 : f32
    %max3A_169 = vector.broadcast %max3A_168 : f32 to vector<2048x200xf32>
    %max3A_170 = arith.maximumf %add3A_167, %max3A_169 : vector<2048x200xf32>
    %reshape3A_171 = vector.shape_cast %max3A_170 : vector<2048x200xf32> to vector<64x32x200xf32>
    %reduce_sum3A_172 = arith.constant dense<0.000000e+00> : vector<64x200xf32>
    %reduce_sum3A_173 = vector.multi_reduction <add>, %reshape3A_171, %reduce_sum3A_172 [1] : vector<64x32x200xf32> to vector<64x200xf32>
    %get3A_174 = arith.constant 8192 : index
    %get3A_175 = arith.constant 0 : index
    %get3A_176 = vector.load %arg0[%get3A_174, %get3A_175] : memref<16384x128xf32, #tpu.memory_space<vmem>>, vector<2048x100xf32>
    %get3A_177 = arith.constant 0 : index
    %get3A_178 = arith.constant 4 : index
    %get3A_179 = vector.load %arg2[%get3A_177, %get3A_178] : memref<2048x8xf32, #tpu.memory_space<vmem>>, vector<2048x1xf32>
    %sub3A_180 = arith.subf %reshape3A_27, %get3A_176 : vector<2048x100xf32>
    %mul3A_181 = vector.broadcast %get3A_179 : vector<2048x1xf32> to vector<2048x100xf32>
    %mul3A_182 = arith.mulf %mul3A_181, %sub3A_180 : vector<2048x100xf32>
    %add3A_183 = arith.addf %get3A_176, %mul3A_182 : vector<2048x100xf32>
    %get3A_184 = arith.constant 10240 : index
    %get3A_185 = arith.constant 0 : index
    %get3A_186 = vector.load %arg0[%get3A_184, %get3A_185] : memref<16384x128xf32, #tpu.memory_space<vmem>>, vector<2048x100xf32>
    %get3A_187 = arith.constant 0 : index
    %get3A_188 = arith.constant 5 : index
    %get3A_189 = vector.load %arg2[%get3A_187, %get3A_188] : memref<2048x8xf32, #tpu.memory_space<vmem>>, vector<2048x1xf32>
    %sub3A_190 = arith.subf %reshape3A_27, %get3A_186 : vector<2048x100xf32>
    %mul3A_191 = vector.broadcast %get3A_189 : vector<2048x1xf32> to vector<2048x100xf32>
    %mul3A_192 = arith.mulf %mul3A_191, %sub3A_190 : vector<2048x100xf32>
    %add3A_193 = arith.addf %get3A_186, %mul3A_192 : vector<2048x100xf32>
    %get3A_194 = arith.constant 4096 : index
    %get3A_195 = arith.constant 0 : index
    %get3A_196 = vector.load %arg1[%get3A_194, %get3A_195] : memref<8192x128xf32, #tpu.memory_space<vmem>>, vector<2048x100xf32>
    %convert_element_type3A_197 = arith.truncf %add3A_183 : vector<2048x100xf32> to vector<2048x100xbf16>
    %dot_general3A_198 = arith.constant dense<0.000000e+00> : vector<2048x500xf32>
    %dot_general3A_199 = tpu.matmul %convert_element_type3A_197, %convert_element_type3A, %dot_general3A_198 {dimension_numbers = #tpu.dot_dimension_numbers<[1], [0], [0], [1], [0, 0, 1, 1], [], []>, transpose_lhs_hint = false} : vector<2048x100xbf16>, vector<100x500xbf16>, vector<2048x500xf32> -> vector<2048x500xf32>
    %convert_element_type3A_200 = arith.truncf %get3A_196 : vector<2048x100xf32> to vector<2048x100xbf16>
    %dot_general3A_201 = arith.constant dense<0.000000e+00> : vector<2048x500xf32>
    %dot_general3A_202 = tpu.matmul %convert_element_type3A_200, %convert_element_type3A_34, %dot_general3A_201 {dimension_numbers = #tpu.dot_dimension_numbers<[1], [0], [0], [1], [0, 0, 1, 1], [], []>, transpose_lhs_hint = false} : vector<2048x100xbf16>, vector<100x500xbf16>, vector<2048x500xf32> -> vector<2048x500xf32>
    %add3A_203 = arith.addf %dot_general3A_199, %dot_general3A_202 : vector<2048x500xf32>
    %convert_element_type3A_204 = arith.truncf %add3A_193 : vector<2048x100xf32> to vector<2048x100xbf16>
    %dot_general3A_205 = arith.constant dense<0.000000e+00> : vector<2048x500xf32>
    %dot_general3A_206 = tpu.matmul %convert_element_type3A_204, %convert_element_type3A_38, %dot_general3A_205 {dimension_numbers = #tpu.dot_dimension_numbers<[1], [0], [0], [1], [0, 0, 1, 1], [], []>, transpose_lhs_hint = false} : vector<2048x100xbf16>, vector<100x500xbf16>, vector<2048x500xf32> -> vector<2048x500xf32>
    %add3A_207 = arith.addf %add3A_203, %dot_general3A_206 : vector<2048x500xf32>
    %get3A_208 = arith.constant 0 : index
    %get3A_209 = arith.constant 0 : index
    %get3A_210 = vector.load %arg6[%get3A_208, %get3A_209] : memref<1x500xf32, #tpu.memory_space<vmem>>, vector<1x500xf32>
    %get3A_211 = vector.shape_cast %get3A_210 : vector<1x500xf32> to vector<500xf32>
    %squeeze3A_212 = vector.shape_cast %get3A_45 : vector<1x500xf32> to vector<500xf32>
    %mul3A_213 = arith.constant 1.000000e+00 : f32
    %mul3A_214 = vector.broadcast %mul3A_213 : f32 to vector<500xf32>
    %mul3A_215 = arith.mulf %mul3A_214, %squeeze3A_212 : vector<500xf32>
    %add3A_216 = arith.addf %get3A_211, %mul3A_215 : vector<500xf32>
    %broadcast_in_dim3A_217 = vector.shape_cast %add3A_216 : vector<500xf32> to vector<1x500xf32>
    %add3A_218 = vector.broadcast %broadcast_in_dim3A_217 : vector<1x500xf32> to vector<2048x500xf32>
    %add3A_219 = arith.addf %add3A_207, %add3A_218 : vector<2048x500xf32>
    %max3A_220 = arith.constant 0.000000e+00 : f32
    %max3A_221 = vector.broadcast %max3A_220 : f32 to vector<2048x500xf32>
    %max3A_222 = arith.maximumf %add3A_219, %max3A_221 : vector<2048x500xf32>
    %convert_element_type3A_223 = arith.truncf %max3A_222 : vector<2048x500xf32> to vector<2048x500xbf16>
    %dot_general3A_224 = arith.constant dense<0.000000e+00> : vector<2048x200xf32>
    %dot_general3A_225 = tpu.matmul %convert_element_type3A_223, %convert_element_type3A_42, %dot_general3A_224 {dimension_numbers = #tpu.dot_dimension_numbers<[1], [0], [0], [1], [0, 0, 1, 1], [], []>, transpose_lhs_hint = false} : vector<2048x500xbf16>, vector<500x200xbf16>, vector<2048x200xf32> -> vector<2048x200xf32>
    %get3A_226 = arith.constant 0 : index
    %get3A_227 = arith.constant 0 : index
    %get3A_228 = vector.load %arg8[%get3A_226, %get3A_227] : memref<1x200xf32, #tpu.memory_space<vmem>>, vector<1x200xf32>
    %get3A_229 = vector.shape_cast %get3A_228 : vector<1x200xf32> to vector<200xf32>
    %broadcast_in_dim3A_230 = vector.shape_cast %get3A_229 : vector<200xf32> to vector<1x200xf32>
    %add3A_231 = vector.broadcast %broadcast_in_dim3A_230 : vector<1x200xf32> to vector<2048x200xf32>
    %add3A_232 = arith.addf %dot_general3A_225, %add3A_231 : vector<2048x200xf32>
    %max3A_233 = arith.constant 0.000000e+00 : f32
    %max3A_234 = vector.broadcast %max3A_233 : f32 to vector<2048x200xf32>
    %max3A_235 = arith.maximumf %add3A_232, %max3A_234 : vector<2048x200xf32>
    %reshape3A_236 = vector.shape_cast %max3A_235 : vector<2048x200xf32> to vector<64x32x200xf32>
    %reduce_sum3A_237 = arith.constant dense<0.000000e+00> : vector<64x200xf32>
    %reduce_sum3A_238 = vector.multi_reduction <add>, %reshape3A_236, %reduce_sum3A_237 [1] : vector<64x32x200xf32> to vector<64x200xf32>
    %get3A_239 = arith.constant 12288 : index
    %get3A_240 = arith.constant 0 : index
    %get3A_241 = vector.load %arg0[%get3A_239, %get3A_240] : memref<16384x128xf32, #tpu.memory_space<vmem>>, vector<2048x100xf32>
    %get3A_242 = arith.constant 0 : index
    %get3A_243 = arith.constant 6 : index
    %get3A_244 = vector.load %arg2[%get3A_242, %get3A_243] : memref<2048x8xf32, #tpu.memory_space<vmem>>, vector<2048x1xf32>
    %sub3A_245 = arith.subf %reshape3A_27, %get3A_241 : vector<2048x100xf32>
    %mul3A_246 = vector.broadcast %get3A_244 : vector<2048x1xf32> to vector<2048x100xf32>
    %mul3A_247 = arith.mulf %mul3A_246, %sub3A_245 : vector<2048x100xf32>
    %add3A_248 = arith.addf %get3A_241, %mul3A_247 : vector<2048x100xf32>
    %get3A_249 = arith.constant 14336 : index
    %get3A_250 = arith.constant 0 : index
    %get3A_251 = vector.load %arg0[%get3A_249, %get3A_250] : memref<16384x128xf32, #tpu.memory_space<vmem>>, vector<2048x100xf32>
    %get3A_252 = arith.constant 0 : index
    %get3A_253 = arith.constant 7 : index
    %get3A_254 = vector.load %arg2[%get3A_252, %get3A_253] : memref<2048x8xf32, #tpu.memory_space<vmem>>, vector<2048x1xf32>
    %sub3A_255 = arith.subf %reshape3A_27, %get3A_251 : vector<2048x100xf32>
    %mul3A_256 = vector.broadcast %get3A_254 : vector<2048x1xf32> to vector<2048x100xf32>
    %mul3A_257 = arith.mulf %mul3A_256, %sub3A_255 : vector<2048x100xf32>
    %add3A_258 = arith.addf %get3A_251, %mul3A_257 : vector<2048x100xf32>
    %get3A_259 = arith.constant 6144 : index
    %get3A_260 = arith.constant 0 : index
    %get3A_261 = vector.load %arg1[%get3A_259, %get3A_260] : memref<8192x128xf32, #tpu.memory_space<vmem>>, vector<2048x100xf32>
    %convert_element_type3A_262 = arith.truncf %add3A_248 : vector<2048x100xf32> to vector<2048x100xbf16>
    %dot_general3A_263 = arith.constant dense<0.000000e+00> : vector<2048x500xf32>
    %dot_general3A_264 = tpu.matmul %convert_element_type3A_262, %convert_element_type3A, %dot_general3A_263 {dimension_numbers = #tpu.dot_dimension_numbers<[1], [0], [0], [1], [0, 0, 1, 1], [], []>, transpose_lhs_hint = false} : vector<2048x100xbf16>, vector<100x500xbf16>, vector<2048x500xf32> -> vector<2048x500xf32>
    %convert_element_type3A_265 = arith.truncf %get3A_261 : vector<2048x100xf32> to vector<2048x100xbf16>
    %dot_general3A_266 = arith.constant dense<0.000000e+00> : vector<2048x500xf32>
    %dot_general3A_267 = tpu.matmul %convert_element_type3A_265, %convert_element_type3A_34, %dot_general3A_266 {dimension_numbers = #tpu.dot_dimension_numbers<[1], [0], [0], [1], [0, 0, 1, 1], [], []>, transpose_lhs_hint = false} : vector<2048x100xbf16>, vector<100x500xbf16>, vector<2048x500xf32> -> vector<2048x500xf32>
    %add3A_268 = arith.addf %dot_general3A_264, %dot_general3A_267 : vector<2048x500xf32>
    %convert_element_type3A_269 = arith.truncf %add3A_258 : vector<2048x100xf32> to vector<2048x100xbf16>
    %dot_general3A_270 = arith.constant dense<0.000000e+00> : vector<2048x500xf32>
    %dot_general3A_271 = tpu.matmul %convert_element_type3A_269, %convert_element_type3A_38, %dot_general3A_270 {dimension_numbers = #tpu.dot_dimension_numbers<[1], [0], [0], [1], [0, 0, 1, 1], [], []>, transpose_lhs_hint = false} : vector<2048x100xbf16>, vector<100x500xbf16>, vector<2048x500xf32> -> vector<2048x500xf32>
    %add3A_272 = arith.addf %add3A_268, %dot_general3A_271 : vector<2048x500xf32>
    %get3A_273 = arith.constant 0 : index
    %get3A_274 = arith.constant 0 : index
    %get3A_275 = vector.load %arg6[%get3A_273, %get3A_274] : memref<1x500xf32, #tpu.memory_space<vmem>>, vector<1x500xf32>
    %get3A_276 = vector.shape_cast %get3A_275 : vector<1x500xf32> to vector<500xf32>
    %squeeze3A_277 = vector.shape_cast %get3A_45 : vector<1x500xf32> to vector<500xf32>
    %mul3A_278 = arith.constant 0.000000e+00 : f32
    %mul3A_279 = vector.broadcast %mul3A_278 : f32 to vector<500xf32>
    %mul3A_280 = arith.mulf %mul3A_279, %squeeze3A_277 : vector<500xf32>
    %add3A_281 = arith.addf %get3A_276, %mul3A_280 : vector<500xf32>
    %broadcast_in_dim3A_282 = vector.shape_cast %add3A_281 : vector<500xf32> to vector<1x500xf32>
    %add3A_283 = vector.broadcast %broadcast_in_dim3A_282 : vector<1x500xf32> to vector<2048x500xf32>
    %add3A_284 = arith.addf %add3A_272, %add3A_283 : vector<2048x500xf32>
    %max3A_285 = arith.constant 0.000000e+00 : f32
    %max3A_286 = vector.broadcast %max3A_285 : f32 to vector<2048x500xf32>
    %max3A_287 = arith.maximumf %add3A_284, %max3A_286 : vector<2048x500xf32>
    %convert_element_type3A_288 = arith.truncf %max3A_287 : vector<2048x500xf32> to vector<2048x500xbf16>
    %dot_general3A_289 = arith.constant dense<0.000000e+00> : vector<2048x200xf32>
    %dot_general3A_290 = tpu.matmul %convert_element_type3A_288, %convert_element_type3A_42, %dot_general3A_289 {dimension_numbers = #tpu.dot_dimension_numbers<[1], [0], [0], [1], [0, 0, 1, 1], [], []>, transpose_lhs_hint = false} : vector<2048x500xbf16>, vector<500x200xbf16>, vector<2048x200xf32> -> vector<2048x200xf32>
    %get3A_291 = arith.constant 0 : index
    %get3A_292 = arith.constant 0 : index
    %get3A_293 = vector.load %arg8[%get3A_291, %get3A_292] : memref<1x200xf32, #tpu.memory_space<vmem>>, vector<1x200xf32>
    %get3A_294 = vector.shape_cast %get3A_293 : vector<1x200xf32> to vector<200xf32>
    %broadcast_in_dim3A_295 = vector.shape_cast %get3A_294 : vector<200xf32> to vector<1x200xf32>
    %add3A_296 = vector.broadcast %broadcast_in_dim3A_295 : vector<1x200xf32> to vector<2048x200xf32>
    %add3A_297 = arith.addf %dot_general3A_290, %add3A_296 : vector<2048x200xf32>
    %max3A_298 = arith.constant 0.000000e+00 : f32
    %max3A_299 = vector.broadcast %max3A_298 : f32 to vector<2048x200xf32>
    %max3A_300 = arith.maximumf %add3A_297, %max3A_299 : vector<2048x200xf32>
    %reshape3A_301 = vector.shape_cast %max3A_300 : vector<2048x200xf32> to vector<64x32x200xf32>
    %reduce_sum3A_302 = arith.constant dense<0.000000e+00> : vector<64x200xf32>
    %reduce_sum3A_303 = vector.multi_reduction <add>, %reshape3A_301, %reduce_sum3A_302 [1] : vector<64x32x200xf32> to vector<64x200xf32>
    %add3A_304 = arith.addf %reduce_sum3A_108, %reduce_sum3A_173 : vector<64x200xf32>
    %mul3A_305 = arith.constant 1.562500e-02 : f32
    %mul3A_306 = vector.broadcast %mul3A_305 : f32 to vector<64x200xf32>
    %mul3A_307 = arith.mulf %add3A_304, %mul3A_306 : vector<64x200xf32>
    %add3A_308 = arith.addf %reduce_sum3A_108, %reduce_sum3A_173 : vector<64x200xf32>
    %add3A_309 = arith.addf %add3A_308, %reduce_sum3A_238 : vector<64x200xf32>
    %add3A_310 = arith.addf %add3A_309, %reduce_sum3A_303 : vector<64x200xf32>
    %mul3A_311 = arith.constant 7.812500e-03 : f32
    %mul3A_312 = vector.broadcast %mul3A_311 : f32 to vector<64x200xf32>
    %mul3A_313 = arith.mulf %add3A_310, %mul3A_312 : vector<64x200xf32>
    %get3A_314 = arith.constant 0 : index
    %get3A_315 = arith.constant 0 : index
    %get3A_316 = vector.load %arg9[%get3A_314, %get3A_315] : memref<200x100xf32, #tpu.memory_space<vmem>>, vector<200x100xf32>
    %dot_general3A_317 = arith.constant dense<0.000000e+00> : vector<64x100xf32>
    %dot_general3A_318 = tpu.matmul %mul3A_307, %get3A_316, %dot_general3A_317 {dimension_numbers = #tpu.dot_dimension_numbers<[1], [0], [0], [1], [0, 0, 1, 1], [], []>, transpose_lhs_hint = false} : vector<64x200xf32>, vector<200x100xf32>, vector<64x100xf32> -> vector<64x100xf32>
    %get3A_319 = arith.constant 0 : index
    %get3A_320 = arith.constant 0 : index
    %get3A_321 = vector.load %arg10[%get3A_319, %get3A_320] : memref<1x100xf32, #tpu.memory_space<vmem>>, vector<1x100xf32>
    %get3A_322 = vector.shape_cast %get3A_321 : vector<1x100xf32> to vector<100xf32>
    %broadcast_in_dim3A_323 = vector.shape_cast %get3A_322 : vector<100xf32> to vector<1x100xf32>
    %add3A_324 = vector.broadcast %broadcast_in_dim3A_323 : vector<1x100xf32> to vector<64x100xf32>
    %add3A_325 = arith.addf %dot_general3A_318, %add3A_324 : vector<64x100xf32>
    %get3A_326 = arith.constant 0 : index
    %get3A_327 = arith.constant 0 : index
    %get3A_328 = vector.load %arg9[%get3A_326, %get3A_327] : memref<200x100xf32, #tpu.memory_space<vmem>>, vector<200x100xf32>
    %dot_general3A_329 = arith.constant dense<0.000000e+00> : vector<64x100xf32>
    %dot_general3A_330 = tpu.matmul %mul3A_313, %get3A_328, %dot_general3A_329 {dimension_numbers = #tpu.dot_dimension_numbers<[1], [0], [0], [1], [0, 0, 1, 1], [], []>, transpose_lhs_hint = false} : vector<64x200xf32>, vector<200x100xf32>, vector<64x100xf32> -> vector<64x100xf32>
    %get3A_331 = arith.constant 0 : index
    %get3A_332 = arith.constant 0 : index
    %get3A_333 = vector.load %arg10[%get3A_331, %get3A_332] : memref<1x100xf32, #tpu.memory_space<vmem>>, vector<1x100xf32>
    %get3A_334 = vector.shape_cast %get3A_333 : vector<1x100xf32> to vector<100xf32>
    %broadcast_in_dim3A_335 = vector.shape_cast %get3A_334 : vector<100xf32> to vector<1x100xf32>
    %add3A_336 = vector.broadcast %broadcast_in_dim3A_335 : vector<1x100xf32> to vector<64x100xf32>
    %add3A_337 = arith.addf %dot_general3A_330, %add3A_336 : vector<64x100xf32>
    %get3A_338 = arith.constant 0 : index
    %get3A_339 = arith.constant 0 : index
    %get3A_340 = vector.load %arg11[%get3A_338, %get3A_339] : memref<100x100xf32, #tpu.memory_space<vmem>>, vector<100x100xf32>
    %dot_general3A_341 = arith.constant dense<0.000000e+00> : vector<64x100xf32>
    %dot_general3A_342 = tpu.matmul %add3A_325, %get3A_340, %dot_general3A_341 {dimension_numbers = #tpu.dot_dimension_numbers<[1], [0], [0], [1], [0, 0, 1, 1], [], []>, transpose_lhs_hint = false} : vector<64x100xf32>, vector<100x100xf32>, vector<64x100xf32> -> vector<64x100xf32>
    %get3A_343 = arith.constant 0 : index
    %get3A_344 = arith.constant 0 : index
    %get3A_345 = vector.load %arg12[%get3A_343, %get3A_344] : memref<1x100xf32, #tpu.memory_space<vmem>>, vector<1x100xf32>
    %get3A_346 = vector.shape_cast %get3A_345 : vector<1x100xf32> to vector<100xf32>
    %broadcast_in_dim3A_347 = vector.shape_cast %get3A_346 : vector<100xf32> to vector<1x100xf32>
    %add3A_348 = vector.broadcast %broadcast_in_dim3A_347 : vector<1x100xf32> to vector<64x100xf32>
    %add3A_349 = arith.addf %dot_general3A_342, %add3A_348 : vector<64x100xf32>
    %get3A_350 = arith.constant 0 : index
    %get3A_351 = arith.constant 0 : index
    %get3A_352 = vector.load %arg11[%get3A_350, %get3A_351] : memref<100x100xf32, #tpu.memory_space<vmem>>, vector<100x100xf32>
    %dot_general3A_353 = arith.constant dense<0.000000e+00> : vector<64x100xf32>
    %dot_general3A_354 = tpu.matmul %add3A_337, %get3A_352, %dot_general3A_353 {dimension_numbers = #tpu.dot_dimension_numbers<[1], [0], [0], [1], [0, 0, 1, 1], [], []>, transpose_lhs_hint = false} : vector<64x100xf32>, vector<100x100xf32>, vector<64x100xf32> -> vector<64x100xf32>
    %get3A_355 = arith.constant 0 : index
    %get3A_356 = arith.constant 0 : index
    %get3A_357 = vector.load %arg12[%get3A_355, %get3A_356] : memref<1x100xf32, #tpu.memory_space<vmem>>, vector<1x100xf32>
    %get3A_358 = vector.shape_cast %get3A_357 : vector<1x100xf32> to vector<100xf32>
    %broadcast_in_dim3A_359 = vector.shape_cast %get3A_358 : vector<100xf32> to vector<1x100xf32>
    %add3A_360 = vector.broadcast %broadcast_in_dim3A_359 : vector<1x100xf32> to vector<64x100xf32>
    %add3A_361 = arith.addf %dot_general3A_354, %add3A_360 : vector<64x100xf32>
    %get3A_362 = arith.constant 0 : index
    %get3A_363 = arith.constant 0 : index
    %get3A_364 = vector.load %arg13[%get3A_362, %get3A_363] : memref<100x100xf32, #tpu.memory_space<vmem>>, vector<100x100xf32>
    %dot_general3A_365 = arith.constant dense<0.000000e+00> : vector<64x100xf32>
    %dot_general3A_366 = tpu.matmul %add3A_325, %get3A_364, %dot_general3A_365 {dimension_numbers = #tpu.dot_dimension_numbers<[1], [0], [0], [1], [0, 0, 1, 1], [], []>, transpose_lhs_hint = false} : vector<64x100xf32>, vector<100x100xf32>, vector<64x100xf32> -> vector<64x100xf32>
    %get3A_367 = arith.constant 0 : index
    %get3A_368 = arith.constant 0 : index
    %get3A_369 = vector.load %arg14[%get3A_367, %get3A_368] : memref<1x100xf32, #tpu.memory_space<vmem>>, vector<1x100xf32>
    %get3A_370 = vector.shape_cast %get3A_369 : vector<1x100xf32> to vector<100xf32>
    %broadcast_in_dim3A_371 = vector.shape_cast %get3A_370 : vector<100xf32> to vector<1x100xf32>
    %add3A_372 = vector.broadcast %broadcast_in_dim3A_371 : vector<1x100xf32> to vector<64x100xf32>
    %add3A_373 = arith.addf %dot_general3A_366, %add3A_372 : vector<64x100xf32>
    %logistic3A = arith.negf %add3A_373 : vector<64x100xf32>
    %logistic3A_374 = math.exp %logistic3A : vector<64x100xf32>
    %logistic3A_375 = arith.constant 1.000000e+00 : f32
    %logistic3A_376 = vector.broadcast %logistic3A_375 : f32 to vector<64x100xf32>
    %logistic3A_377 = arith.addf %logistic3A_376, %logistic3A_374 : vector<64x100xf32>
    %logistic3A_378 = arith.divf %logistic3A_376, %logistic3A_377 : vector<64x100xf32>
    %mul3A_379 = arith.constant 0.899999976 : f32
    %mul3A_380 = vector.broadcast %mul3A_379 : f32 to vector<64x100xf32>
    %mul3A_381 = arith.mulf %mul3A_380, %logistic3A_378 : vector<64x100xf32>
    %add3A_382 = arith.constant 1.000000e-01 : f32
    %add3A_383 = vector.broadcast %add3A_382 : f32 to vector<64x100xf32>
    %add3A_384 = arith.addf %add3A_383, %mul3A_381 : vector<64x100xf32>
    %get3A_385 = arith.constant 0 : index
    %get3A_386 = arith.constant 0 : index
    %get3A_387 = vector.load %arg13[%get3A_385, %get3A_386] : memref<100x100xf32, #tpu.memory_space<vmem>>, vector<100x100xf32>
    %dot_general3A_388 = arith.constant dense<0.000000e+00> : vector<64x100xf32>
    %dot_general3A_389 = tpu.matmul %add3A_337, %get3A_387, %dot_general3A_388 {dimension_numbers = #tpu.dot_dimension_numbers<[1], [0], [0], [1], [0, 0, 1, 1], [], []>, transpose_lhs_hint = false} : vector<64x100xf32>, vector<100x100xf32>, vector<64x100xf32> -> vector<64x100xf32>
    %get3A_390 = arith.constant 0 : index
    %get3A_391 = arith.constant 0 : index
    %get3A_392 = vector.load %arg14[%get3A_390, %get3A_391] : memref<1x100xf32, #tpu.memory_space<vmem>>, vector<1x100xf32>
    %get3A_393 = vector.shape_cast %get3A_392 : vector<1x100xf32> to vector<100xf32>
    %broadcast_in_dim3A_394 = vector.shape_cast %get3A_393 : vector<100xf32> to vector<1x100xf32>
    %add3A_395 = vector.broadcast %broadcast_in_dim3A_394 : vector<1x100xf32> to vector<64x100xf32>
    %add3A_396 = arith.addf %dot_general3A_389, %add3A_395 : vector<64x100xf32>
    %logistic3A_397 = arith.negf %add3A_396 : vector<64x100xf32>
    %logistic3A_398 = math.exp %logistic3A_397 : vector<64x100xf32>
    %logistic3A_399 = arith.constant 1.000000e+00 : f32
    %logistic3A_400 = vector.broadcast %logistic3A_399 : f32 to vector<64x100xf32>
    %logistic3A_401 = arith.addf %logistic3A_400, %logistic3A_398 : vector<64x100xf32>
    %logistic3A_402 = arith.divf %logistic3A_400, %logistic3A_401 : vector<64x100xf32>
    %mul3A_403 = arith.constant 0.899999976 : f32
    %mul3A_404 = vector.broadcast %mul3A_403 : f32 to vector<64x100xf32>
    %mul3A_405 = arith.mulf %mul3A_404, %logistic3A_402 : vector<64x100xf32>
    %add3A_406 = arith.constant 1.000000e-01 : f32
    %add3A_407 = vector.broadcast %add3A_406 : f32 to vector<64x100xf32>
    %add3A_408 = arith.addf %add3A_407, %mul3A_405 : vector<64x100xf32>
    %div3A = arith.divf %add3A_384, %add3A_408 : vector<64x100xf32>
    %log3A = math.log %div3A : vector<64x100xf32>
    %mul3A_409 = arith.mulf %add3A_408, %add3A_408 : vector<64x100xf32>
    %sub3A_410 = arith.subf %add3A_361, %add3A_349 : vector<64x100xf32>
    %integer_pow3A = arith.mulf %sub3A_410, %sub3A_410 : vector<64x100xf32>
    %add3A_411 = arith.addf %mul3A_409, %integer_pow3A : vector<64x100xf32>
    %mul3A_412 = arith.constant 2.000000e+00 : f32
    %mul3A_413 = vector.broadcast %mul3A_412 : f32 to vector<64x100xf32>
    %mul3A_414 = arith.mulf %mul3A_413, %add3A_384 : vector<64x100xf32>
    %mul3A_415 = arith.mulf %mul3A_414, %add3A_384 : vector<64x100xf32>
    %div3A_416 = arith.divf %add3A_411, %mul3A_415 : vector<64x100xf32>
    %add3A_417 = arith.addf %log3A, %div3A_416 : vector<64x100xf32>
    %sub3A_418 = arith.constant 5.000000e-01 : f32
    %sub3A_419 = vector.broadcast %sub3A_418 : f32 to vector<64x100xf32>
    %sub3A_420 = arith.subf %add3A_417, %sub3A_419 : vector<64x100xf32>
    %reduce_sum3A_421 = arith.constant dense<0.000000e+00> : vector<64xf32>
    %reduce_sum3A_422 = vector.multi_reduction <add>, %sub3A_420, %reduce_sum3A_421 [1] : vector<64x100xf32> to vector<64xf32>
    %broadcast_in_dim3A_423 = vector.shape_cast %reduce_sum3A_422 : vector<64xf32> to vector<64x1xf32>
    %swap3A = arith.constant 0 : index
    %swap3A_424 = arith.constant 64 : index
    %swap3A_425 = vector.load %arg18[%swap3A, %swap3A_424] : memref<64x65xf32, #tpu.memory_space<vmem>>, vector<64x1xf32>
    tpu.vector_store %arg18[%swap3A, %swap3A_424], %broadcast_in_dim3A_423 {strides = array<i32>} : memref<64x65xf32, #tpu.memory_space<vmem>>, vector<64x1xf32>,
    %get3A_426 = arith.constant 0 : index
    %get3A_427 = arith.constant 0 : index
    %get3A_428 = vector.load %arg17[%get3A_426, %get3A_427] : memref<64x100xf32, #tpu.memory_space<vmem>>, vector<64x100xf32>
    %mul3A_429 = arith.mulf %add3A_408, %get3A_428 : vector<64x100xf32>
    %add3A_430 = arith.addf %add3A_361, %mul3A_429 : vector<64x100xf32>
    %broadcast_in_dim3A_431 = vector.shape_cast %add3A_430 : vector<64x100xf32> to vector<64x1x100xf32>
    %broadcast_in_dim3A_432 = vector.broadcast %broadcast_in_dim3A_431 : vector<64x1x100xf32> to vector<64x32x100xf32>
    %reshape3A_433 = vector.shape_cast %broadcast_in_dim3A_432 : vector<64x32x100xf32> to vector<2048x100xf32>
    %get3A_434 = arith.constant 0 : index
    %get3A_435 = arith.constant 0 : index
    %get3A_436 = vector.load %arg15[%get3A_434, %get3A_435] : memref<200x100xf32, #tpu.memory_space<vmem>>, vector<100x100xf32>
    %get3A_437 = arith.constant 100 : index
    %get3A_438 = arith.constant 0 : index
    %get3A_439 = vector.load %arg15[%get3A_437, %get3A_438] : memref<200x100xf32, #tpu.memory_space<vmem>>, vector<100x100xf32>
    %dot_general3A_440 = arith.constant dense<0.000000e+00> : vector<2048x100xf32>
    %dot_general3A_441 = tpu.matmul %reshape3A_433, %get3A_439, %dot_general3A_440 {dimension_numbers = #tpu.dot_dimension_numbers<[1], [0], [0], [1], [0, 0, 1, 1], [], []>, transpose_lhs_hint = false} : vector<2048x100xf32>, vector<100x100xf32>, vector<2048x100xf32> -> vector<2048x100xf32>
    %get3A_442 = arith.constant 0 : index
    %get3A_443 = arith.constant 0 : index
    %get3A_444 = vector.load %arg16[%get3A_442, %get3A_443] : memref<1x100xf32, #tpu.memory_space<vmem>>, vector<1x100xf32>
    %get3A_445 = vector.shape_cast %get3A_444 : vector<1x100xf32> to vector<100xf32>
    %broadcast_in_dim3A_446 = vector.shape_cast %get3A_445 : vector<100xf32> to vector<1x100xf32>
    %add3A_447 = vector.broadcast %broadcast_in_dim3A_446 : vector<1x100xf32> to vector<2048x100xf32>
    %add3A_448 = arith.addf %dot_general3A_441, %add3A_447 : vector<2048x100xf32>
    %get3A_449 = arith.constant 8192 : index
    %get3A_450 = arith.constant 0 : index
    %get3A_451 = vector.load %arg0[%get3A_449, %get3A_450] : memref<16384x128xf32, #tpu.memory_space<vmem>>, vector<2048x100xf32>
    %get3A_452 = arith.constant 0 : index
    %get3A_453 = arith.constant 4 : index
    %get3A_454 = vector.load %arg2[%get3A_452, %get3A_453] : memref<2048x8xf32, #tpu.memory_space<vmem>>, vector<2048x1xf32>
    %sub3A_455 = arith.subf %reshape3A_27, %get3A_451 : vector<2048x100xf32>
    %mul3A_456 = vector.broadcast %get3A_454 : vector<2048x1xf32> to vector<2048x100xf32>
    %mul3A_457 = arith.mulf %mul3A_456, %sub3A_455 : vector<2048x100xf32>
    %add3A_458 = arith.addf %get3A_451, %mul3A_457 : vector<2048x100xf32>
    %get3A_459 = arith.constant 10240 : index
    %get3A_460 = arith.constant 0 : index
    %get3A_461 = vector.load %arg0[%get3A_459, %get3A_460] : memref<16384x128xf32, #tpu.memory_space<vmem>>, vector<2048x100xf32>
    %get3A_462 = arith.constant 0 : index
    %get3A_463 = arith.constant 5 : index
    %get3A_464 = vector.load %arg2[%get3A_462, %get3A_463] : memref<2048x8xf32, #tpu.memory_space<vmem>>, vector<2048x1xf32>
    %sub3A_465 = arith.subf %reshape3A_27, %get3A_461 : vector<2048x100xf32>
    %mul3A_466 = vector.broadcast %get3A_464 : vector<2048x1xf32> to vector<2048x100xf32>
    %mul3A_467 = arith.mulf %mul3A_466, %sub3A_465 : vector<2048x100xf32>
    %add3A_468 = arith.addf %get3A_461, %mul3A_467 : vector<2048x100xf32>
    %get3A_469 = arith.constant 4096 : index
    %get3A_470 = arith.constant 0 : index
    %get3A_471 = vector.load %arg1[%get3A_469, %get3A_470] : memref<8192x128xf32, #tpu.memory_space<vmem>>, vector<2048x100xf32>
    %dot_general3A_472 = arith.constant dense<0.000000e+00> : vector<2048x100xf32>
    %dot_general3A_473 = tpu.matmul %add3A_458, %get3A_436, %dot_general3A_472 {dimension_numbers = #tpu.dot_dimension_numbers<[1], [0], [0], [1], [0, 0, 1, 1], [], []>, transpose_lhs_hint = false} : vector<2048x100xf32>, vector<100x100xf32>, vector<2048x100xf32> -> vector<2048x100xf32>
    %add3A_474 = arith.addf %dot_general3A_473, %add3A_448 : vector<2048x100xf32>
    %dot_general3A_475 = arith.constant dense<0.000000e+00> : vector<2048x100xf32>
    %dot_general3A_476 = tpu.matmul %add3A_468, %get3A_436, %dot_general3A_475 {dimension_numbers = #tpu.dot_dimension_numbers<[1], [0], [0], [1], [0, 0, 1, 1], [], []>, transpose_lhs_hint = false} : vector<2048x100xf32>, vector<100x100xf32>, vector<2048x100xf32> -> vector<2048x100xf32>
    %add3A_477 = arith.addf %dot_general3A_476, %add3A_448 : vector<2048x100xf32>
    %mul3A_478 = arith.mulf %add3A_474, %get3A_471 : vector<2048x100xf32>
    %mul3A_479 = arith.mulf %mul3A_478, %add3A_477 : vector<2048x100xf32>
    %reshape3A_480 = vector.shape_cast %mul3A_479 : vector<2048x100xf32> to vector<64x32x100xf32>
    %reduce_sum3A_481 = arith.constant dense<0.000000e+00> : vector<64x32xf32>
    %reduce_sum3A_482 = vector.multi_reduction <add>, %reshape3A_480, %reduce_sum3A_481 [2] : vector<64x32x100xf32> to vector<64x32xf32>
    %swap3A_483 = arith.constant 0 : index
    %swap3A_484 = arith.constant 0 : index
    %swap3A_485 = vector.load %arg18[%swap3A_483, %swap3A_484] : memref<64x65xf32, #tpu.memory_space<vmem>>, vector<64x32xf32>
    tpu.vector_store %arg18[%swap3A_483, %swap3A_484], %reduce_sum3A_482 {strides = array<i32>} : memref<64x65xf32, #tpu.memory_space<vmem>>, vector<64x32xf32>,
    %get3A_486 = arith.constant 12288 : index
    %get3A_487 = arith.constant 0 : index
    %get3A_488 = vector.load %arg0[%get3A_486, %get3A_487] : memref<16384x128xf32, #tpu.memory_space<vmem>>, vector<2048x100xf32>
    %get3A_489 = arith.constant 0 : index
    %get3A_490 = arith.constant 6 : index
    %get3A_491 = vector.load %arg2[%get3A_489, %get3A_490] : memref<2048x8xf32, #tpu.memory_space<vmem>>, vector<2048x1xf32>
    %sub3A_492 = arith.subf %reshape3A_27, %get3A_488 : vector<2048x100xf32>
    %mul3A_493 = vector.broadcast %get3A_491 : vector<2048x1xf32> to vector<2048x100xf32>
    %mul3A_494 = arith.mulf %mul3A_493, %sub3A_492 : vector<2048x100xf32>
    %add3A_495 = arith.addf %get3A_488, %mul3A_494 : vector<2048x100xf32>
    %get3A_496 = arith.constant 14336 : index
    %get3A_497 = arith.constant 0 : index
    %get3A_498 = vector.load %arg0[%get3A_496, %get3A_497] : memref<16384x128xf32, #tpu.memory_space<vmem>>, vector<2048x100xf32>
    %get3A_499 = arith.constant 0 : index
    %get3A_500 = arith.constant 7 : index
    %get3A_501 = vector.load %arg2[%get3A_499, %get3A_500] : memref<2048x8xf32, #tpu.memory_space<vmem>>, vector<2048x1xf32>
    %sub3A_502 = arith.subf %reshape3A_27, %get3A_498 : vector<2048x100xf32>
    %mul3A_503 = vector.broadcast %get3A_501 : vector<2048x1xf32> to vector<2048x100xf32>
    %mul3A_504 = arith.mulf %mul3A_503, %sub3A_502 : vector<2048x100xf32>
    %add3A_505 = arith.addf %get3A_498, %mul3A_504 : vector<2048x100xf32>
    %get3A_506 = arith.constant 6144 : index
    %get3A_507 = arith.constant 0 : index
    %get3A_508 = vector.load %arg1[%get3A_506, %get3A_507] : memref<8192x128xf32, #tpu.memory_space<vmem>>, vector<2048x100xf32>
    %dot_general3A_509 = arith.constant dense<0.000000e+00> : vector<2048x100xf32>
    %dot_general3A_510 = tpu.matmul %add3A_495, %get3A_436, %dot_general3A_509 {dimension_numbers = #tpu.dot_dimension_numbers<[1], [0], [0], [1], [0, 0, 1, 1], [], []>, transpose_lhs_hint = false} : vector<2048x100xf32>, vector<100x100xf32>, vector<2048x100xf32> -> vector<2048x100xf32>
    %add3A_511 = arith.addf %dot_general3A_510, %add3A_448 : vector<2048x100xf32>
    %dot_general3A_512 = arith.constant dense<0.000000e+00> : vector<2048x100xf32>
    %dot_general3A_513 = tpu.matmul %add3A_505, %get3A_436, %dot_general3A_512 {dimension_numbers = #tpu.dot_dimension_numbers<[1], [0], [0], [1], [0, 0, 1, 1], [], []>, transpose_lhs_hint = false} : vector<2048x100xf32>, vector<100x100xf32>, vector<2048x100xf32> -> vector<2048x100xf32>
    %add3A_514 = arith.addf %dot_general3A_513, %add3A_448 : vector<2048x100xf32>
    %mul3A_515 = arith.mulf %add3A_511, %get3A_508 : vector<2048x100xf32>
    %mul3A_516 = arith.mulf %mul3A_515, %add3A_514 : vector<2048x100xf32>
    %reshape3A_517 = vector.shape_cast %mul3A_516 : vector<2048x100xf32> to vector<64x32x100xf32>
    %reduce_sum3A_518 = arith.constant dense<0.000000e+00> : vector<64x32xf32>
    %reduce_sum3A_519 = vector.multi_reduction <add>, %reshape3A_517, %reduce_sum3A_518 [2] : vector<64x32x100xf32> to vector<64x32xf32>
    %swap3A_520 = arith.constant 0 : index
    %swap3A_521 = arith.constant 32 : index
    %swap3A_522 = vector.load %arg18[%swap3A_520, %swap3A_521] : memref<64x65xf32, #tpu.memory_space<vmem>>, vector<64x32xf32>
    tpu.vector_store %arg18[%swap3A_520, %swap3A_521], %reduce_sum3A_519 {strides = array<i32>} : memref<64x65xf32, #tpu.memory_space<vmem>>, vector<64x32xf32>,
    return
  }
}

</mosaic_0001>

<sc_bundles>
// kernel: kernel.10.cloned.1.call-start
scs
__scs_entry_jumppad:
0x0: {  	(pc) =	sbr.rel $0x88, $3  }
0x1: {  	(tag) =	ssettag $0x0;
	lr =	simm.s32 $0x1  }
0x2: {  	[smem:$0x3F8C] =	sst lr;
	_ =	strace $0xD0000000  }
0x3: {  	_ = 	snop  }
0x4: {  	_ = 	snop  }
0x5: {  	_ = 	snop  }
0x6: {  	_ = 	snop  }
0x7: {  	_ = 	snop  }
__scs_overlays_trampoline_lowered:
0x8: {  	[smem:$0x3F9B] =	sst s0  }
0x9: {  	[smem:$0x3F9C] =	sst s1  }
0xa: {  	[smem:$0x3F9D] =	sst s2  }
0xb: {  	[smem:$0x3F9E] =	sst s3  }
0xc: {  	[smem:$0x3F9F] =	sst s4  }
0xd: {  	[smem:$0x3FA0] =	sst s5  }
0xe: {  	[smem:$0x3FA1] =	sst s6  }
0xf: {  	[smem:$0x3FA2] =	sst s7  }
0x10: {  	[smem:$0x3FA3] =	sst s8  }
0x11: {  	[smem:$0x3FA4] =	sst s9;
	s0 =	simm.s32 @!p0 $0x0  }
0x12: {  	s1 =	sld [smem:$0x3F8A];
	s0 =	simm.s32 @p0 $0x1  }
0x13: {  	[smem:$0x3FA5] =	sst s0;
	s0 =	simm.s32 @!p1 $0x0  }
0x14: {  	s2 =	sld [smem:$0x3F89];
	s0 =	simm.s32 @p1 $0x1  }
0x15: {  	[smem:$0x3FA6] =	sst s0;
	s0 =	simm.s32 @!p2 $0x0  }
0x16: {  	s3 =	sld [smem:$0x3FDB];
	s0 =	simm.s32 @p2 $0x1  }
0x17: {  	s4 =	simm.s32 $0x1BF5;
	[smem:$0x3FA8] =	sst s0  }
0x18: {  	s0 =	sld [smem:$0x3F8B];
	_ =	swait.ge [sflag:s4], $0x0  }
0x19: {  	s7 =	sld [smem:$0x3F8C]  }
0x1a: {  	s8 =	sadd.s32 $0xFFFFE003, lr  }
0x1b: {  	s9 =	sadd.s32 $0xFFFFFEF7, lr;
	s5 =	simm.s32 $0xFFFFFFFF;
	p2 =	slt.u32 s8, $0xFFFFF086  }
0x1c: {  	p1 =	slt.u32 s9, $0xF7A;
	s5 =	simm.s32 @!p2 $0x0  }
0x1d: {  	s5 =	simm.s32 @p1 $0x1;
	p0 =	seq.s32 s7, s2  }
0x1e: {  	s7 =	smul.u32 @!p0 $0xF7A, s2;
	p2 =	seq.s32 @!p0 s5, $0x0  }
0x1f: {  	s9 =	smul.u32 $0xF7A, s1;
	s8 =	simm.s32 @!p0 $0x1BF5;
	p2 =	por !p2, p0  }
0x20: {  	[sflag:s8] =	ssyncset.s32 @!p0 $0xFFFFF086;
	s6 =	sadd.s32 @!p0 s3, s7;
	s7 =	simm.s32 @!p0 $0x108  }
0x21: {  	s3 =	sadd.s32 s3, s9;
	s6 =	sadd.s32 @!p0 $0x88, s6;
	s7 =	simm.s32 @p2 $0x1082  }
0x22: {  	[simem:s7], [sflag:s8] =	dma.local @!p0 [hbm:s6], $0xF7A  }
0x23: {  	s9 =	sor.u32 $0xD0000000, s2;
	s6 =	simm.s32 $0x108;
	_ =	swait.ge @!p0 [sflag:s8], $0x0  }
0x24: {  	s3 =	sadd.s32 $0x88, s3;
	s6 =	simm.s32 @!p1 $0x1082;
	[sflag:s4] =	ssyncset.s32 $0xFFFFF086  }
0x25: {  	[simem:s6], [sflag:s4] =	dma.local [hbm:s3], $0xF7A  }
0x26: {  	[smem:$0x3F8C] =	sst s1;
	(tag) =	ssettag s2;
	_ =	strace s9  }
0x27: {  	s1 =	sld [smem:$0x3F9C]  }
0x28: {  	s2 =	sld [smem:$0x3F9D]  }
0x29: {  	s4 =	sld [smem:$0x3F9F]  }
0x2a: {  	p0 =	seq.s32 s5, $0x0;
	s5 =	sld [smem:$0x3FA0]  }
0x2b: {  	s6 =	sld [smem:$0x3FA1]  }
0x2c: {  	s7 =	sld [smem:$0x3FA2]  }
0x2d: {  	s3 =	simm.s32 $0x108;
	s8 =	sld [smem:$0x3FA3]  }
0x2e: {  	s3 =	simm.s32 @!p0 $0x1082;
	s9 =	sld [smem:$0x3FA4]  }
0x2f: {  	lr =	sadd.s32 s0, s3;
	s0 =	sld [smem:$0x3F9B]  }
0x30: {  	s3 =	sld [smem:$0x3F9E]  }
0x31: {  	[smem:$0x3FA7] =	sst s10  }
0x32: {  	s10 =	sld [smem:$0x3FA5];
	_ =	sdelay $0x3  }
0x33: {  	p0 =	seq.s32 s10, $0x1;
	s10 =	sld [smem:$0x3FA7];
	_ =	sdelay $0x3  }
0x34: {  	[smem:$0x3FA7] =	sst s10  }
0x35: {  	s10 =	sld [smem:$0x3FA6];
	_ =	sdelay $0x3  }
0x36: {  	p1 =	seq.s32 s10, $0x1;
	s10 =	sld [smem:$0x3FA7];
	_ =	sdelay $0x3  }
0x37: {  	[smem:$0x3FA7] =	sst s10  }
0x38: {  	s10 =	sld [smem:$0x3FA8]  }
0x39: {  	_ = 	snop;
	(pc) =	sbr.ind lr, $3  }
0x3a: {  	_ = 	snop  }
0x3b: {  	_ = 	snop  }
0x3c: {  	p2 =	seq.s32 s10, $0x1;
	s10 =	sld [smem:$0x3FA7]  }
0x3d: {  	_ =	shalt  }
0x3e: {  	_ =	shalt  }
0x3f: {  	_ =	shalt  }
0x40: {  	_ =	shalt  }
0x41: {  	_ =	shalt  }
0x42: {  	_ =	shalt  }
0x43: {  	_ =	shalt  }
0x44: {  	_ =	shalt  }
0x45: {  	_ =	shalt  }
0x46: {  	_ =	shalt  }
0x47: {  	_ =	shalt  }
0x48: {  	_ =	shalt  }
0x49: {  	_ =	shalt  }
0x4a: {  	_ =	shalt  }
0x4b: {  	_ =	shalt  }
0x4c: {  	_ =	shalt  }
0x4d: {  	_ =	shalt  }
0x4e: {  	_ =	shalt  }
0x4f: {  	_ =	shalt  }
0x50: {  	_ =	shalt  }
0x51: {  	_ =	shalt  }
0x52: {  	_ =	shalt  }
0x53: {  	_ =	shalt  }
0x54: {  	_ =	shalt  }
0x55: {  	_ =	shalt  }
0x56: {  	_ =	shalt  }
0x57: {  	_ =	shalt  }
0x58: {  	_ =	shalt  }
0x59: {  	_ =	shalt  }
0x5a: {  	_ =	shalt  }
0x5b: {  	_ =	shalt  }
0x5c: {  	_ =	shalt  }
0x5d: {  	_ =	shalt  }
0x5e: {  	_ =	shalt  }
0x5f: {  	_ =	shalt  }
0x60: {  	_ =	shalt  }
0x61: {  	_ =	shalt  }
0x62: {  	_ =	shalt  }
0x63: {  	_ =	shalt  }
0x64: {  	_ =	shalt  }
0x65: {  	_ =	shalt  }
0x66: {  	_ =	shalt  }
0x67: {  	_ =	shalt  }
0x68: {  	_ =	shalt  }
0x69: {  	_ =	shalt  }
0x6a: {  	_ =	shalt  }
0x6b: {  	_ =	shalt  }
0x6c: {  	_ =	shalt  }
0x6d: {  	_ =	shalt  }
0x6e: {  	_ =	shalt  }
0x6f: {  	_ =	shalt  }
0x70: {  	_ =	shalt  }
0x71: {  	_ =	shalt  }
0x72: {  	_ =	shalt  }
0x73: {  	_ =	shalt  }
0x74: {  	_ =	shalt  }
0x75: {  	_ =	shalt  }
0x76: {  	_ =	shalt  }
0x77: {  	_ =	shalt  }
0x78: {  	_ =	shalt  }
0x79: {  	_ =	shalt  }
0x7a: {  	_ =	shalt  }
0x7b: {  	_ =	shalt  }
0x7c: {  	_ =	shalt  }
0x7d: {  	_ =	shalt  }
0x7e: {  	_ =	shalt  }
0x7f: {  	_ =	shalt  }
0x80: {  	_ =	shalt  }
0x81: {  	_ =	shalt  }
0x82: {  	_ =	shalt  }
0x83: {  	_ =	shalt  }
0x84: {  	_ =	shalt  }
0x85: {  	_ =	shalt  }
0x86: {  	_ =	shalt  }
0x87: {  	_ =	shalt  }
.Lfunc_end0:
.L_simem_size_0:
called_computation.1_lowered:
.L_overlay_start_0:
0x88: {  	s2 =	sld [smem:$0x3FD9]  }
0x89: {  	s3 =	sld [smem:$0x3FFE];
	_ =	sdelay $0x1  }
0x8a: {  	s1 =	srdreg.scid  }
0x8b: {  	s0 =	sand.u32 $0x1, s1  }
0x8c: {  	s17 =	sshll.u32 s0, $0xA;
	s2 =	sadd.s32 s3, s2  }
0x8d: {  	s2 =	sadd.s32 s2, s17  }
0x8e: {  	[smem:$0x3FB3] =	sst s2  }
0x8f: {  	_ = 	snop  }
0x90: {  	s18 =	sld [smem:$0x3FD0];
	(tm) =	ssettm $0x1  }
0x91: {  	s19 =	sld [smem:$0x3FFB];
	_ =	sdelay $0x3  }
0x92: {  	_ =	strace s19  }
0x93: {  	s2 =	sld [smem:$0x3FFC];
	_ =	sdelay $0x3  }
0x94: {  	_ =	strace s2  }
0x95: {  	s2 =	sld [smem:$0x3FFD];
	_ =	sdelay $0x3  }
0x96: {  	_ =	strace s2  }
0x97: {  	_ =	strace $0x8FFFFFFF  }
0x98: {  	s20 =	sld [smem:$0x3FDB];
	_ =	sdelay $0x1  }
0x99: {  	s4 =	simm.s32 $_scs_section_size  }
0x9a: {  	s5 =	simm.s32 $_size__tile_overlayer_lowered;
	s6 =	simm.s32 $_tile_overlayer_lowered  }
0x9b: {  	s7 =	simm.s32 $0x1BFF;
	s21 =	sshll.u32 s6, $0x1;
	s4 =	sadd.s32 s4, s20  }
0x9c: {  	s22 =	simm.s32 $0x0;
	s5 =	sshll.u32 s5, $0x1;
	s6 =	sadd.s32 s21, s4  }
0x9d: {  	[timem:s22], [sflag:s7] =	dma.local [hbm:s6], s5  }
0x9e: {  	_ =	swait.ge [sflag:s7], s5  }
0x9f: {  	s5 =	ssub.s32 $0x0, s5;
	[sflag:s7] =	ssyncset.done $0x0  }
0xa0: {  	[sflag:s7] =	ssyncadd.s32 s5;
	_ =	sdelay $0x1  }
0xa1: {  	s23 =	simm.s32 $0x1B8B  }
0xa2: {  	_ =	swait.ge [sflag:s23], $0x1  }
0xa3: {  	[sflag:s23] =	ssyncset.done $0x0  }
0xa4: {  	[sflag:s23] =	ssyncadd.s32 $0xFFFFFFFF  }
0xa5: {  	s5 =	sld [smem:$0x0]  }
0xa6: {  	s6 =	sand.u32 $0xFFFFFFFE, s1  }
0xa7: {  	p0 =	sne.s32 s1, s6  }
0xa8: {  	s6 =	sshll.u32 @p0 s6, $0xE  }
0xa9: {  	s6 =	sadd.s32 @p0 $0x11B8D, s6;
	s7 =	sshll.u32 @p0 s5, $0x11  }
0xaa: {  	s6 =	sor.u32 @p0 s7, s6  }
0xab: {  	[sflag:s6] =	ssyncadd.remote.s32 @p0 $0x1;
	_ =	sdelay $0x1  }
0xac: {  	s6 =	simm.s32 @p0 $0x1B8D  }
0xad: {  	_ =	swait.eq @p0 [sflag:s6], $0x1  }
0xae: {  	[sflag:s6] =	ssyncadd.s32 @p0 $0xFFFFFFFF  }
0xaf: {  	s7 =	sshll.u32 @!p0 s1, $0xE  }
0xb0: {  	s7 =	sor.u32 @!p0 $0x4000, s7;
	s6 =	simm.s32 @!p0 $0x1B8D  }
0xb1: {  	s5 =	sshll.u32 @!p0 s5, $0x11;
	s7 =	sadd.s32 @!p0 $0x11B8D, s7;
	_ =	swait.eq @!p0 [sflag:s6], $0x1  }
0xb2: {  	s5 =	sor.u32 @!p0 s5, s7;
	[sflag:s6] =	ssyncadd.s32 @!p0 $0xFFFFFFFF  }
0xb3: {  	s25 =	simm.s32 $0x1B8E;
	s24 =	sld [smem:$0x3FFE];
	[sflag:s5] =	ssyncadd.remote.s32 @!p0 $0x1  }
0xb4: {  	s26 =	simm.s32 $execute0_lowered;
	[smem:$0x3FD2] =	sst s25  }
0xb5: {  	s6 =	sshll.u32 s26, $0x1;
	_ =	strace $0x80000049;
	[dreg:$0x1] =	wrdreg $0xFFFFFFFF  }
0xb6: {  	s28 =	simm.s32 $_size_execute0_lowered;
	s4 =	sadd.s32 s4, s6;
	[dreg:$0x0] =	wrdreg $0x0  }
0xb7: {  	s6 =	sshll.u32 s28, $0x1;
	[dreg:$0x2] =	wrdreg s4  }
0xb8: {  	[dreg:$0x3] =	wrdreg s6  }
0xb9: {  	[dreg:$0x4] =	wrdreg $0xC0  }
0xba: {  	_ =	task [dreg:s22], $0x5FFFF  }
0xbb: {  	[dreg:$0x1] =	wrdreg $0xFFFFFFFF  }
0xbc: {  	[dreg:$0x0] =	wrdreg $0x60  }
0xbd: {  	[dreg:$0x2] =	wrdreg s24  }
0xbe: {  	[dreg:$0x3] =	wrdreg s18  }
0xbf: {  	[dreg:$0x4] =	wrdreg $0xA  }
0xc0: {  	_ =	task.clear_ibuf [dreg:s22], $0x5FFFF;
	_ =	strace $0x90000049  }
0xc1: {  	s29 =	simm.s32 $0xA;
	_ =	strace $0x8000004B  }
0xc2: {  	_ =	swait.ge [sflag:s29], $0x1  }
0xc3: {  	[sflag:s29] =	ssyncadd.s32 $0xFFFFFFFF  }
0xc4: {  	_ =	strace $0x9000004B  }
0xc5: {  	_ =	sfence  }
0xc6: {  	s30 =	sld [smem:$0x0];
	_ =	sdelay $0x2  }
0xc7: {  	s31 =	sshll.u32 s1, $0xD;
	s1 =	sshrl.u32 s1, $0x2  }
0xc8: {  	s4 =	sand.u32 $0x4000, s31;
	s1 =	sadd.s32 s1, s30  }
0xc9: {  	s0 =	sor.u32 s4, s0;
	s1 =	sshll.u32 s1, $0x11  }
0xca: {  	s0 =	sor.u32 s1, s0  }
0xcb: {  	s0 =	sadd.s32 $0x8F2B, s0  }
0xcc: {  	[sflag:s0] =	ssyncadd.remote.s32 $0x1  }
0xcd: {  	_ =	sfence.sel $0xFFFF  }
0xce: {  	[dreg:$0x0] =	wrdreg $0xFFFFFFFF;
	(pc) =	sbr.abs _section_cstart, $3  }
0xcf: {  	[dreg:$0x1] =	wrdreg $0xFFFFFFFF  }
0xd0: {  	_ =	task.clear_ibuf [dreg:s22], $0x2FFFF;
	_ =	strace $0x9FFFFFFF  }
0xd1: {  	(tm) =	ssettm $0x7FFFFFFF  }
tec
execute0_lowered:
.L_overlay_start_1:
0x0: {  	(tag) =	ssettag $0x1  }
0x1: {  	s1 =	srdreg.scid  }
0x2: {  	s10 =	rddreg [dreg:$0x0];
	s0 =	stileid.u32;
	s11 =	sand.u32 $0x1, s1  }
0x3: {  	s3 =	rddreg [dreg:$0x1];
	s4 =	sshll.u32 s0, $0x9;
	s5 =	sshll.u32 s11, $0x8  }
0x4: {  	s2 =	simm.s32 $0x0;
	s1 =	rddreg [dreg:$0x2];
	s12 =	sor.u32 s5, s4  }
0x5: {  	[smem:$0x7FF] =	sst s2;
	s4 =	sshrl.u32 s12, $0x3  }
0x6: {  	_ =	strace $0x8000004A;
	s4 =	sadd.s32 s3, s4;
	s3 =	simm.s32 $0x2  }
0x7: {  	[tilespmem:s2], [sflag:$0x2] =	stream.linear.gather [hbm4b:s4+s2], $0x100, $0x38;
	[tilespmem:$0x8100] =	vst v63  }
0x8: {  	_ =	swait.ge [sflag:s3], $0x100  }
0x9: {  	s6 =	simm.s32 $0x80;
	[sflag:s3] =	ssyncset.done $0x0  }
0xa: {  	s7 =	simm.s32 $0x100;
	s5 =	sadd.s32 $0x1CD200, s10;
	[sflag:s3] =	ssyncadd.s32 $0xFFFFFF00  }
0xb: {  	[tilespmem:s7], [sflag:$0x1] =	stream.indirect.gather [hbm4b:s5+s6], $0x80, s2, s6, $0xb8;
	[tilespmem:$0x8100] =	vst v63  }
0xc: {  	s8 =	simm.s32 $0x4100;
	s9 =	simm.s32 $0x1;
	s11 =	ssub.s32 $0x2, s11  }
0xd: {  	[tilespmem:s8], [sflag:$0x1] =	stream.indirect.gather [hbm4b:s5+s6], $0x80, s6, s6, $0xb8;
	[tilespmem:$0x8100] =	vst v63  }
0xe: {  	s13 =	sshrl.u32 s11, $0x1;
	_ =	swait.ge [sflag:s9], $0x4000  }
0xf: {  	s11 =	ssub.s32 s11, s13;
	[sflag:s9] =	ssyncset.done $0x0  }
0x10: {  	s11 =	smax.u32 s11, $0x1;
	[sflag:s9] =	ssyncadd.s32 $0xFFFFC000  }
0x11: {  	s12 =	sshll.u32 s12, $0x4;
	p0 =	sne.s32 s11, $0x1;
	_ =	swait.ge [sflag:s9], $0x4000  }
.Ltmp0:
0x12: {  	s10 =	sadd.s32 s12, s10;
	[sflag:s9] =	ssyncset.done $0x0;
	(pc) =	sbr.rel @!p0 .LBB2_2-.Ltmp0, $4  }
0x13: {  	s10 =	sadd.s32 $0x353C00, s10;
	[sflag:s9] =	ssyncadd.s32 $0xFFFFC000  }
0x14: {  	[hbm4b:s10+s2] =	stream.linear.scatter [tilespmem:s7], [sflag:$0x2], $0x8000, $0x38;
	[tilespmem:$0x8100] =	vst v63  }
0x15: {  	_ =	swait.ge [sflag:s3], $0x8000  }
0x16: {  	s11 =	sadd.s32 $0xFFFFFFFF, s11;
	[sflag:s3] =	ssyncset.done $0x0  }
.LBB2_1:
0x17: {  	p0 =	sne.s32 s11, $0x1;
	s11 =	sadd.s32 $0xFFFFFFFF, s11;
	[sflag:s3] =	ssyncadd.s32 $0xFFFF8000  }
0x18: {  	[tilespmem:s2], [sflag:$0x2] =	stream.linear.gather [hbm4b:s4+s2], $0x100, $0x38;
	[tilespmem:$0x8100] =	vst v63  }
0x19: {  	_ =	swait.ge [sflag:s3], $0x100  }
0x1a: {  	[sflag:s3] =	ssyncset.done $0x0  }
0x1b: {  	[sflag:s3] =	ssyncadd.s32 $0xFFFFFF00  }
0x1c: {  	[tilespmem:s7], [sflag:$0x1] =	stream.indirect.gather [hbm4b:s5+s6], $0x80, s2, s6, $0xb8;
	[tilespmem:$0x8100] =	vst v63  }
0x1d: {  	_ = 	snop  }
0x1e: {  	[tilespmem:s8], [sflag:$0x1] =	stream.indirect.gather [hbm4b:s5+s6], $0x80, s6, s6, $0xb8;
	[tilespmem:$0x8100] =	vst v63  }
0x1f: {  	_ =	swait.ge [sflag:s9], $0x4000  }
0x20: {  	[sflag:s9] =	ssyncset.done $0x0  }
0x21: {  	[sflag:s9] =	ssyncadd.s32 $0xFFFFC000  }
0x22: {  	_ =	swait.ge [sflag:s9], $0x4000  }
.Ltmp1:
0x23: {  	[sflag:s9] =	ssyncset.done $0x0;
	(pc) =	sbr.rel @p0 .LBB2_1-.Ltmp1, $4  }
0x24: {  	[sflag:s9] =	ssyncadd.s32 $0xFFFFC000  }
0x25: {  	[hbm4b:s10+s2] =	stream.linear.scatter [tilespmem:s7], [sflag:$0x2], $0x8000, $0x38;
	[tilespmem:$0x8100] =	vst v63  }
0x26: {  	_ =	swait.ge [sflag:s3], $0x8000  }
0x27: {  	[sflag:s3] =	ssyncset.done $0x0  }
.LBB2_2:
0x28: {  	[sflag:s3] =	ssyncadd.s32 $0xFFFF8000  }
0x29: {  	_ =	sfence.sel $0x180000  }
0x2a: {  	[bflag:$0x0] =	sbarrier.arrive $0xFFFF  }
0x2b: {  	p0 =	sne.s32 s0, $0x0;
	_ =	strace $0x9000004A  }
0x2c: {  	s0 =	sadd.s32 @!p0 $0x100000, s1;
	[bflag:$0x2] =	sbarrier.arrive $0xFFFF  }
0x2d: {  	[sflag:s0] =	ssyncadd.tile.s32 @!p0 $0x1;
	_ =	shalt  }
.Lfunc_end2:
_tile_overlayer_lowered:
.L_overlay_start_2:
0x2e: {  	(tag) =	ssettag $0x2  }
0x2f: {  	s0 =	rddreg [dreg:$0x0];
	s2 =	stileid.u32  }
0x30: {  	s1 =	rddreg [dreg:$0x1];
	p0 =	sne.s32 s2, $0x0  }
0x31: {  	s3 =	rddreg [dreg:$0x2];
	[bflag:$0x3] =	sbarrier.arrive $0xFFFF;
	s2 =	simm.s32 @!p0 $0x1C02  }
0x32: {  	[timem:s3], [sflag:s2] =	dma.local @!p0 [hbm:s0], s1  }
0x33: {  	s0 =	simm.s32 @!p0 $0x2  }
0x34: {  	_ =	swait.ge @!p0 [sflag:s0], s1  }
0x35: {  	s1 =	ssub.s32 @!p0 $0x0, s1;
	[sflag:s0] =	ssyncset.done @!p0 $0x0  }
0x36: {  	[sflag:s0] =	ssyncadd.s32 @!p0 s1  }
0x37: {  	[bflag:$0x3] =	sbarrier.arrive $0xFFFF  }
0x38: {  	_ =	shalt  }

// kernel: kernel.7.cloned.1.call-start
scs
__scs_entry_jumppad:
0x0: {  	(pc) =	sbr.rel $0x88, $3  }
0x1: {  	(tag) =	ssettag $0x0;
	lr =	simm.s32 $0x1  }
0x2: {  	[smem:$0x3F8C] =	sst lr;
	_ =	strace $0xD0000000  }
0x3: {  	_ = 	snop  }
0x4: {  	_ = 	snop  }
0x5: {  	_ = 	snop  }
0x6: {  	_ = 	snop  }
0x7: {  	_ = 	snop  }
__scs_overlays_trampoline_lowered:
0x8: {  	[smem:$0x3F9B] =	sst s0  }
0x9: {  	[smem:$0x3F9C] =	sst s1  }
0xa: {  	[smem:$0x3F9D] =	sst s2  }
0xb: {  	[smem:$0x3F9E] =	sst s3  }
0xc: {  	[smem:$0x3F9F] =	sst s4  }
0xd: {  	[smem:$0x3FA0] =	sst s5  }
0xe: {  	[smem:$0x3FA1] =	sst s6  }
0xf: {  	[smem:$0x3FA2] =	sst s7  }
0x10: {  	[smem:$0x3FA3] =	sst s8  }
0x11: {  	[smem:$0x3FA4] =	sst s9;
	s0 =	simm.s32 @!p0 $0x0  }
0x12: {  	s1 =	sld [smem:$0x3F8A];
	s0 =	simm.s32 @p0 $0x1  }
0x13: {  	[smem:$0x3FA5] =	sst s0;
	s0 =	simm.s32 @!p1 $0x0  }
0x14: {  	s2 =	sld [smem:$0x3F89];
	s0 =	simm.s32 @p1 $0x1  }
0x15: {  	[smem:$0x3FA6] =	sst s0;
	s0 =	simm.s32 @!p2 $0x0  }
0x16: {  	s3 =	sld [smem:$0x3FDB];
	s0 =	simm.s32 @p2 $0x1  }
0x17: {  	s4 =	simm.s32 $0x1BF5;
	[smem:$0x3FA8] =	sst s0  }
0x18: {  	s0 =	sld [smem:$0x3F8B];
	_ =	swait.ge [sflag:s4], $0x0  }
0x19: {  	s7 =	sld [smem:$0x3F8C]  }
0x1a: {  	s8 =	sadd.s32 $0xFFFFE003, lr  }
0x1b: {  	s9 =	sadd.s32 $0xFFFFFEF7, lr;
	s5 =	simm.s32 $0xFFFFFFFF;
	p2 =	slt.u32 s8, $0xFFFFF086  }
0x1c: {  	p1 =	slt.u32 s9, $0xF7A;
	s5 =	simm.s32 @!p2 $0x0  }
0x1d: {  	s5 =	simm.s32 @p1 $0x1;
	p0 =	seq.s32 s7, s2  }
0x1e: {  	s7 =	smul.u32 @!p0 $0xF7A, s2;
	p2 =	seq.s32 @!p0 s5, $0x0  }
0x1f: {  	s9 =	smul.u32 $0xF7A, s1;
	s8 =	simm.s32 @!p0 $0x1BF5;
	p2 =	por !p2, p0  }
0x20: {  	[sflag:s8] =	ssyncset.s32 @!p0 $0xFFFFF086;
	s6 =	sadd.s32 @!p0 s3, s7;
	s7 =	simm.s32 @!p0 $0x108  }
0x21: {  	s3 =	sadd.s32 s3, s9;
	s6 =	sadd.s32 @!p0 $0x88, s6;
	s7 =	simm.s32 @p2 $0x1082  }
0x22: {  	[simem:s7], [sflag:s8] =	dma.local @!p0 [hbm:s6], $0xF7A  }
0x23: {  	s9 =	sor.u32 $0xD0000000, s2;
	s6 =	simm.s32 $0x108;
	_ =	swait.ge @!p0 [sflag:s8], $0x0  }
0x24: {  	s3 =	sadd.s32 $0x88, s3;
	s6 =	simm.s32 @!p1 $0x1082;
	[sflag:s4] =	ssyncset.s32 $0xFFFFF086  }
0x25: {  	[simem:s6], [sflag:s4] =	dma.local [hbm:s3], $0xF7A  }
0x26: {  	[smem:$0x3F8C] =	sst s1;
	(tag) =	ssettag s2;
	_ =	strace s9  }
0x27: {  	s1 =	sld [smem:$0x3F9C]  }
0x28: {  	s2 =	sld [smem:$0x3F9D]  }
0x29: {  	s4 =	sld [smem:$0x3F9F]  }
0x2a: {  	p0 =	seq.s32 s5, $0x0;
	s5 =	sld [smem:$0x3FA0]  }
0x2b: {  	s6 =	sld [smem:$0x3FA1]  }
0x2c: {  	s7 =	sld [smem:$0x3FA2]  }
0x2d: {  	s3 =	simm.s32 $0x108;
	s8 =	sld [smem:$0x3FA3]  }
0x2e: {  	s3 =	simm.s32 @!p0 $0x1082;
	s9 =	sld [smem:$0x3FA4]  }
0x2f: {  	lr =	sadd.s32 s0, s3;
	s0 =	sld [smem:$0x3F9B]  }
0x30: {  	s3 =	sld [smem:$0x3F9E]  }
0x31: {  	[smem:$0x3FA7] =	sst s10  }
0x32: {  	s10 =	sld [smem:$0x3FA5];
	_ =	sdelay $0x3  }
0x33: {  	p0 =	seq.s32 s10, $0x1;
	s10 =	sld [smem:$0x3FA7];
	_ =	sdelay $0x3  }
0x34: {  	[smem:$0x3FA7] =	sst s10  }
0x35: {  	s10 =	sld [smem:$0x3FA6];
	_ =	sdelay $0x3  }
0x36: {  	p1 =	seq.s32 s10, $0x1;
	s10 =	sld [smem:$0x3FA7];
	_ =	sdelay $0x3  }
0x37: {  	[smem:$0x3FA7] =	sst s10  }
0x38: {  	s10 =	sld [smem:$0x3FA8]  }
0x39: {  	_ = 	snop;
	(pc) =	sbr.ind lr, $3  }
0x3a: {  	_ = 	snop  }
0x3b: {  	_ = 	snop  }
0x3c: {  	p2 =	seq.s32 s10, $0x1;
	s10 =	sld [smem:$0x3FA7]  }
0x3d: {  	_ =	shalt  }
0x3e: {  	_ =	shalt  }
0x3f: {  	_ =	shalt  }
0x40: {  	_ =	shalt  }
0x41: {  	_ =	shalt  }
0x42: {  	_ =	shalt  }
0x43: {  	_ =	shalt  }
0x44: {  	_ =	shalt  }
0x45: {  	_ =	shalt  }
0x46: {  	_ =	shalt  }
0x47: {  	_ =	shalt  }
0x48: {  	_ =	shalt  }
0x49: {  	_ =	shalt  }
0x4a: {  	_ =	shalt  }
0x4b: {  	_ =	shalt  }
0x4c: {  	_ =	shalt  }
0x4d: {  	_ =	shalt  }
0x4e: {  	_ =	shalt  }
0x4f: {  	_ =	shalt  }
0x50: {  	_ =	shalt  }
0x51: {  	_ =	shalt  }
0x52: {  	_ =	shalt  }
0x53: {  	_ =	shalt  }
0x54: {  	_ =	shalt  }
0x55: {  	_ =	shalt  }
0x56: {  	_ =	shalt  }
0x57: {  	_ =	shalt  }
0x58: {  	_ =	shalt  }
0x59: {  	_ =	shalt  }
0x5a: {  	_ =	shalt  }
0x5b: {  	_ =	shalt  }
0x5c: {  	_ =	shalt  }
0x5d: {  	_ =	shalt  }
0x5e: {  	_ =	shalt  }
0x5f: {  	_ =	shalt  }
0x60: {  	_ =	shalt  }
0x61: {  	_ =	shalt  }
0x62: {  	_ =	shalt  }
0x63: {  	_ =	shalt  }
0x64: {  	_ =	shalt  }
0x65: {  	_ =	shalt  }
0x66: {  	_ =	shalt  }
0x67: {  	_ =	shalt  }
0x68: {  	_ =	shalt  }
0x69: {  	_ =	shalt  }
0x6a: {  	_ =	shalt  }
0x6b: {  	_ =	shalt  }
0x6c: {  	_ =	shalt  }
0x6d: {  	_ =	shalt  }
0x6e: {  	_ =	shalt  }
0x6f: {  	_ =	shalt  }
0x70: {  	_ =	shalt  }
0x71: {  	_ =	shalt  }
0x72: {  	_ =	shalt  }
0x73: {  	_ =	shalt  }
0x74: {  	_ =	shalt  }
0x75: {  	_ =	shalt  }
0x76: {  	_ =	shalt  }
0x77: {  	_ =	shalt  }
0x78: {  	_ =	shalt  }
0x79: {  	_ =	shalt  }
0x7a: {  	_ =	shalt  }
0x7b: {  	_ =	shalt  }
0x7c: {  	_ =	shalt  }
0x7d: {  	_ =	shalt  }
0x7e: {  	_ =	shalt  }
0x7f: {  	_ =	shalt  }
0x80: {  	_ =	shalt  }
0x81: {  	_ =	shalt  }
0x82: {  	_ =	shalt  }
0x83: {  	_ =	shalt  }
0x84: {  	_ =	shalt  }
0x85: {  	_ =	shalt  }
0x86: {  	_ =	shalt  }
0x87: {  	_ =	shalt  }
.Lfunc_end0:
.L_simem_size_0:
called_computation_lowered:
.L_overlay_start_0:
0x88: {  	s2 =	sld [smem:$0x3FD9]  }
0x89: {  	s3 =	sld [smem:$0x3FFE];
	_ =	sdelay $0x1  }
0x8a: {  	s1 =	srdreg.scid  }
0x8b: {  	s0 =	sand.u32 $0x1, s1  }
0x8c: {  	s16 =	sshll.u32 s0, $0xA;
	s2 =	sadd.s32 s3, s2  }
0x8d: {  	s2 =	sadd.s32 s2, s16  }
0x8e: {  	[smem:$0x3FB3] =	sst s2  }
0x8f: {  	_ = 	snop  }
0x90: {  	(tm) =	ssettm $0x1  }
0x91: {  	s17 =	sld [smem:$0x3FFB];
	_ =	sdelay $0x3  }
0x92: {  	_ =	strace s17  }
0x93: {  	s2 =	sld [smem:$0x3FFC];
	_ =	sdelay $0x3  }
0x94: {  	_ =	strace s2  }
0x95: {  	s2 =	sld [smem:$0x3FFD];
	_ =	sdelay $0x3  }
0x96: {  	_ =	strace s2  }
0x97: {  	_ =	strace $0x8FFFFFFF  }
0x98: {  	s18 =	sld [smem:$0x3FDB];
	_ =	sdelay $0x1  }
0x99: {  	s19 =	simm.s32 $_scs_section_size  }
0x9a: {  	s4 =	simm.s32 $_size__tile_overlayer_lowered;
	s5 =	simm.s32 $_tile_overlayer_lowered  }
0x9b: {  	s22 =	simm.s32 $0x1BFF;
	s21 =	sshll.u32 s5, $0x1;
	s2 =	sadd.s32 s19, s18  }
0x9c: {  	s6 =	simm.s32 $0x0;
	s20 =	sshll.u32 s4, $0x1;
	s4 =	sadd.s32 s21, s2  }
0x9d: {  	[timem:s6], [sflag:s22] =	dma.local [hbm:s4], s20  }
0x9e: {  	_ =	swait.ge [sflag:s22], s20  }
0x9f: {  	s3 =	ssub.s32 $0x0, s20;
	[sflag:s22] =	ssyncset.done $0x0  }
0xa0: {  	[sflag:s22] =	ssyncadd.s32 s3;
	_ =	sdelay $0x1  }
0xa1: {  	s23 =	simm.s32 $0x1B8B  }
0xa2: {  	_ =	swait.ge [sflag:s23], $0x1  }
0xa3: {  	[sflag:s23] =	ssyncset.done $0x0  }
0xa4: {  	s25 =	simm.s32 $0x1B8E;
	s24 =	sld [smem:$0x3FFE];
	[sflag:s23] =	ssyncadd.s32 $0xFFFFFFFF  }
0xa5: {  	s26 =	simm.s32 $execute0_lowered;
	[smem:$0x3FD2] =	sst s25  }
0xa6: {  	s4 =	sshll.u32 s26, $0x1;
	_ =	strace $0x80000046;
	[dreg:$0x1] =	wrdreg $0xFFFFFFFF  }
0xa7: {  	s28 =	simm.s32 $_size_execute0_lowered;
	s2 =	sadd.s32 s2, s4;
	[dreg:$0x0] =	wrdreg $0x0  }
0xa8: {  	s4 =	sshll.u32 s28, $0x1;
	[dreg:$0x2] =	wrdreg s2  }
0xa9: {  	[dreg:$0x3] =	wrdreg s4  }
0xaa: {  	[dreg:$0x4] =	wrdreg $0xC0  }
0xab: {  	_ =	task [dreg:s6], $0x5FFFF  }
0xac: {  	[dreg:$0x1] =	wrdreg $0xFFFFFFFF  }
0xad: {  	[dreg:$0x0] =	wrdreg $0x60  }
0xae: {  	[dreg:$0x2] =	wrdreg s24  }
0xaf: {  	[dreg:$0x3] =	wrdreg $0x9  }
0xb0: {  	_ =	task.clear_ibuf [dreg:s6], $0x4FFFF;
	_ =	strace $0x90000046  }
0xb1: {  	s29 =	simm.s32 $0x9;
	_ =	strace $0x80000048  }
0xb2: {  	_ =	swait.ge [sflag:s29], $0x1  }
0xb3: {  	[sflag:s29] =	ssyncadd.s32 $0xFFFFFFFF  }
0xb4: {  	_ =	strace $0x90000048  }
0xb5: {  	_ =	sfence  }
0xb6: {  	s30 =	sld [smem:$0x0];
	_ =	sdelay $0x2  }
0xb7: {  	s31 =	sshll.u32 s1, $0xD;
	s1 =	sshrl.u32 s1, $0x2  }
0xb8: {  	s3 =	sand.u32 $0x4000, s31;
	s1 =	sadd.s32 s1, s30  }
0xb9: {  	s0 =	sor.u32 s3, s0;
	s1 =	sshll.u32 s1, $0x11  }
0xba: {  	s0 =	sor.u32 s1, s0  }
0xbb: {  	s0 =	sadd.s32 $0x8F2B, s0  }
0xbc: {  	[sflag:s0] =	ssyncadd.remote.s32 $0x1  }
0xbd: {  	_ =	sfence.sel $0xFFFF  }
0xbe: {  	[dreg:$0x0] =	wrdreg $0xFFFFFFFF;
	(pc) =	sbr.abs _section_cstart, $3  }
0xbf: {  	[dreg:$0x1] =	wrdreg $0xFFFFFFFF  }
0xc0: {  	_ =	task.clear_ibuf [dreg:s6], $0x2FFFF;
	_ =	strace $0x9FFFFFFF  }
0xc1: {  	(tm) =	ssettm $0x7FFFFFFF  }
tec
execute0_lowered:
.L_overlay_start_1:
0x0: {  	(tag) =	ssettag $0x1  }
0x1: {  	s1 =	srdreg.scid  }
0x2: {  	s0 =	stileid.u32;
	s14 =	sand.u32 $0x1, s1  }
0x3: {  	s29 =	sshll.u32 s0, $0xA;
	s2 =	sshll.u32 s14, $0x9  }
0x4: {  	s15 =	rddreg [dreg:$0x0];
	s16 =	sor.u32 s2, s29  }
0x5: {  	s1 =	rddreg [dreg:$0x1];
	s2 =	simm.s32 $0x0;
	s3 =	sshrl.u32 s16, $0x3  }
0x6: {  	[smem:$0x7FF] =	sst s2;
	s3 =	sadd.s32 s3, s15  }
0x7: {  	_ =	strace $0x80000047;
	s4 =	sadd.s32 $0x18CA00, s3;
	s3 =	simm.s32 $0x2  }
0x8: {  	[tilespmem:s2], [sflag:$0x2] =	stream.linear.gather [hbm4b:s4+s2], $0x200, $0x38;
	[tilespmem:$0x10200] =	vst v63  }
0x9: {  	_ =	swait.ge [sflag:s3], $0x200  }
0xa: {  	s6 =	simm.s32 $0x80;
	[sflag:s3] =	ssyncset.done $0x0  }
0xb: {  	s7 =	simm.s32 $0x200;
	s5 =	sadd.s32 $0x6000, s15;
	[sflag:s3] =	ssyncadd.s32 $0xFFFFFE00  }
0xc: {  	[tilespmem:s7], [sflag:$0x1] =	stream.indirect.gather [hbm4b:s5+s6], $0x80, s2, s6, $0xb8;
	[tilespmem:$0x10200] =	vst v63  }
0xd: {  	s8 =	simm.s32 $0x4200  }
0xe: {  	[tilespmem:s8], [sflag:$0x1] =	stream.indirect.gather [hbm4b:s5+s6], $0x80, s6, s6, $0xb8;
	[tilespmem:$0x10200] =	vst v63  }
0xf: {  	s9 =	simm.s32 $0x100;
	s10 =	simm.s32 $0x8200  }
0x10: {  	[tilespmem:s10], [sflag:$0x1] =	stream.indirect.gather [hbm4b:s5+s6], $0x80, s9, s6, $0xb8;
	[tilespmem:$0x10200] =	vst v63  }
0x11: {  	s11 =	simm.s32 $0x180;
	s12 =	simm.s32 $0xC200;
	s13 =	simm.s32 $0x1  }
0x12: {  	[tilespmem:s12], [sflag:$0x1] =	stream.indirect.gather [hbm4b:s5+s6], $0x80, s11, s6, $0xb8;
	[tilespmem:$0x10200] =	vst v63  }
0x13: {  	_ =	swait.ge [sflag:s13], $0x4000  }
0x14: {  	[sflag:s13] =	ssyncset.done $0x0  }
0x15: {  	[sflag:s13] =	ssyncadd.s32 $0xFFFFC000  }
0x16: {  	_ =	swait.ge [sflag:s13], $0x4000  }
0x17: {  	[sflag:s13] =	ssyncset.done $0x0  }
0x18: {  	s14 =	ssub.s32 $0x2, s14;
	[sflag:s13] =	ssyncadd.s32 $0xFFFFC000  }
0x19: {  	s17 =	sshrl.u32 s14, $0x1;
	_ =	swait.ge [sflag:s13], $0x4000  }
0x1a: {  	s30 =	ssub.s32 s14, s17;
	[sflag:s13] =	ssyncset.done $0x0  }
0x1b: {  	s31 =	smax.u32 s30, $0x1;
	[sflag:s13] =	ssyncadd.s32 $0xFFFFC000  }
0x1c: {  	s16 =	sshll.u32 s16, $0x4;
	p0 =	sne.s32 s31, $0x1;
	_ =	swait.ge [sflag:s13], $0x4000  }
.Ltmp0:
0x1d: {  	s15 =	sadd.s32 s16, s15;
	[sflag:s13] =	ssyncset.done $0x0;
	(pc) =	sbr.rel @!p0 .LBB2_2-.Ltmp0, $4  }
0x1e: {  	s14 =	sadd.s32 $0x18D200, s15;
	[sflag:s13] =	ssyncadd.s32 $0xFFFFC000  }
0x1f: {  	[hbm4b:s14+s2] =	stream.linear.scatter [tilespmem:s7], [sflag:$0x2], $0x10000, $0x38;
	[tilespmem:$0x10200] =	vst v63  }
0x20: {  	_ =	swait.ge [sflag:s3], $0x10000  }
0x21: {  	s15 =	sadd.s32 $0xFFFFFFFF, s31;
	[sflag:s3] =	ssyncset.done $0x0  }
.LBB2_1:
0x22: {  	p0 =	sne.s32 s15, $0x1;
	s15 =	sadd.s32 $0xFFFFFFFF, s15;
	[sflag:s3] =	ssyncadd.s32 $0xFFFF0000  }
0x23: {  	[tilespmem:s2], [sflag:$0x2] =	stream.linear.gather [hbm4b:s4+s2], $0x200, $0x38;
	[tilespmem:$0x10200] =	vst v63  }
0x24: {  	_ =	swait.ge [sflag:s3], $0x200  }
0x25: {  	[sflag:s3] =	ssyncset.done $0x0  }
0x26: {  	[sflag:s3] =	ssyncadd.s32 $0xFFFFFE00  }
0x27: {  	[tilespmem:s7], [sflag:$0x1] =	stream.indirect.gather [hbm4b:s5+s6], $0x80, s2, s6, $0xb8;
	[tilespmem:$0x10200] =	vst v63  }
0x28: {  	_ = 	snop  }
0x29: {  	[tilespmem:s8], [sflag:$0x1] =	stream.indirect.gather [hbm4b:s5+s6], $0x80, s6, s6, $0xb8;
	[tilespmem:$0x10200] =	vst v63  }
0x2a: {  	_ = 	snop  }
0x2b: {  	[tilespmem:s10], [sflag:$0x1] =	stream.indirect.gather [hbm4b:s5+s6], $0x80, s9, s6, $0xb8;
	[tilespmem:$0x10200] =	vst v63  }
0x2c: {  	_ = 	snop  }
0x2d: {  	[tilespmem:s12], [sflag:$0x1] =	stream.indirect.gather [hbm4b:s5+s6], $0x80, s11, s6, $0xb8;
	[tilespmem:$0x10200] =	vst v63  }
0x2e: {  	_ =	swait.ge [sflag:s13], $0x4000  }
0x2f: {  	[sflag:s13] =	ssyncset.done $0x0  }
0x30: {  	[sflag:s13] =	ssyncadd.s32 $0xFFFFC000  }
0x31: {  	_ =	swait.ge [sflag:s13], $0x4000  }
0x32: {  	[sflag:s13] =	ssyncset.done $0x0  }
0x33: {  	[sflag:s13] =	ssyncadd.s32 $0xFFFFC000  }
0x34: {  	_ =	swait.ge [sflag:s13], $0x4000  }
0x35: {  	[sflag:s13] =	ssyncset.done $0x0  }
0x36: {  	[sflag:s13] =	ssyncadd.s32 $0xFFFFC000  }
0x37: {  	_ =	swait.ge [sflag:s13], $0x4000  }
.Ltmp1:
0x38: {  	[sflag:s13] =	ssyncset.done $0x0;
	(pc) =	sbr.rel @p0 .LBB2_1-.Ltmp1, $4  }
0x39: {  	[sflag:s13] =	ssyncadd.s32 $0xFFFFC000  }
0x3a: {  	[hbm4b:s14+s2] =	stream.linear.scatter [tilespmem:s7], [sflag:$0x2], $0x10000, $0x38;
	[tilespmem:$0x10200] =	vst v63  }
0x3b: {  	_ =	swait.ge [sflag:s3], $0x10000  }
0x3c: {  	[sflag:s3] =	ssyncset.done $0x0  }
.LBB2_2:
0x3d: {  	[sflag:s3] =	ssyncadd.s32 $0xFFFF0000  }
0x3e: {  	_ =	sfence.sel $0x180000  }
0x3f: {  	[bflag:$0x0] =	sbarrier.arrive $0xFFFF  }
0x40: {  	p0 =	sne.s32 s0, $0x0;
	_ =	strace $0x90000047  }
0x41: {  	s0 =	sadd.s32 @!p0 $0x100000, s1;
	[bflag:$0x2] =	sbarrier.arrive $0xFFFF  }
0x42: {  	[sflag:s0] =	ssyncadd.tile.s32 @!p0 $0x1;
	_ =	shalt  }
.Lfunc_end2:
_tile_overlayer_lowered:
.L_overlay_start_2:
0x43: {  	(tag) =	ssettag $0x2  }
0x44: {  	s0 =	rddreg [dreg:$0x0];
	s2 =	stileid.u32  }
0x45: {  	s1 =	rddreg [dreg:$0x1];
	p0 =	sne.s32 s2, $0x0  }
0x46: {  	s3 =	rddreg [dreg:$0x2];
	[bflag:$0x3] =	sbarrier.arrive $0xFFFF;
	s2 =	simm.s32 @!p0 $0x1C02  }
0x47: {  	[timem:s3], [sflag:s2] =	dma.local @!p0 [hbm:s0], s1  }
0x48: {  	s0 =	simm.s32 @!p0 $0x2  }
0x49: {  	_ =	swait.ge @!p0 [sflag:s0], s1  }
0x4a: {  	s1 =	ssub.s32 @!p0 $0x0, s1;
	[sflag:s0] =	ssyncset.done @!p0 $0x0  }
0x4b: {  	[sflag:s0] =	ssyncadd.s32 @!p0 s1  }
0x4c: {  	[bflag:$0x3] =	sbarrier.arrive $0xFFFF  }
0x4d: {  	_ =	shalt  }

</sc_bundles>
